<compile_context>
chip_gen: v7x
topology: tpu7x:2x2x1
jax: 0.10.2.dev20260603
libtpu: 0.0.44.dev20260713+nightly
codegen_flags: <defaults>
</compile_context>

<pallas_src>
import jax
import jax.numpy as jnp
import numpy as np
from jax.experimental import pallas as pl
from jax.experimental.pallas import tpu as pltpu
from jax.experimental.pallas import tpu_sc as plsc

K = 128
B = 64
N = 8192
SEG_VREGS = 8
SEGS = N // (SEG_VREGS * 16)
CAP = 512
TRIG = CAP - SEG_VREGS * 16
BUF = CAP + 64
NEG = np.float32(-np.inf)


def _vsort(v, desc):
    s, _ = plsc.sort_key_val(v, v, descending=desc)
    return s


def _rev(v):
    return jax.lax.rev(v, (0,))


def _ce(vs, i, j, desc):
    a, b = vs[i], vs[j]
    if desc:
        vs[i], vs[j] = jnp.maximum(a, b), jnp.minimum(a, b)
    else:
        vs[i], vs[j] = jnp.minimum(a, b), jnp.maximum(a, b)


def _merge_blocks(vs, desc):
    vs = list(vs)
    n = len(vs)
    s = n // 2
    while s >= 1:
        for base in range(0, n, 2 * s):
            for i in range(base, base + s):
                _ce(vs, i, i + s, desc)
        s //= 2
    return [_vsort(v, desc) for v in vs]


def _sort128(vs):
    r = [_vsort(vs[i], desc=(i % 2 == 0)) for i in range(8)]
    for p in range(4):
        r[2 * p:2 * p + 2] = _merge_blocks(r[2 * p:2 * p + 2], desc=(p % 2 == 0))
    for q in range(2):
        r[4 * q:4 * q + 4] = _merge_blocks(r[4 * q:4 * q + 4], desc=(q % 2 == 0))
    return _merge_blocks(r, desc=True)


def _merge_top(a, b):
    c = [jnp.maximum(a[j], _rev(b[7 - j])) for j in range(8)]
    return _merge_blocks(c, desc=True)


def _load_block(ref, base, rel, cnt, iota):
    vs = []
    for j in range(8):
        off = rel + j * 16
        v = ref[pl.ds(base + off, 16)]
        m = (off + iota) < cnt
        vs.append(jnp.where(m, v, NEG))
    return vs


def _select_top(cbuf, base, cnt, iota):
    def sort_blk(blk, _k):
        bb = base + blk * 128
        r = _sort128(_load_block(cbuf, base, blk * 128, cnt, iota))
        for j in range(8):
            cbuf[pl.ds(bb + j * 16, 16)] = r[j]
        return _k

    jax.lax.fori_loop(1, CAP // 128, sort_blk, 0)

    def merge_blk(blk, r):
        b = [cbuf[pl.ds(base + blk * 128 + j * 16, 16)] for j in range(8)]
        return tuple(_merge_top(list(r), b))

    r0 = tuple(cbuf[pl.ds(base + j * 16, 16)] for j in range(8))
    return list(jax.lax.fori_loop(1, CAP // 128, merge_blk, r0))


def _popcnt(mask):
    pc = plsc.all_reduce_population_count(mask)
    return jax.lax.squeeze(jax.lax.slice(pc, (0,), (1,)), (0,))


def _sc_body(x_hbm, out_hbm, rows_v, cbufs, cref, tref, *sems):
    wid = jax.lax.axis_index("c") * 16 + jax.lax.axis_index("s")
    iota = jax.lax.iota(jnp.int32, 16)

    sem = sems[0]
    for i in range(2):
        pltpu.async_copy(x_hbm.at[pl.ds((wid * 2 + i) * 2 * N, 2 * N)],
                         rows_v.at[pl.ds(i * 2 * N, 2 * N)], sem.at[i])

    def row_body(i, _r):
        row = wid * 2 + i
        row_base = i * 2 * N
        pltpu.make_async_copy(
            x_hbm.at[pl.ds((wid * 2 + i) * 2 * N, 2 * N)],
            rows_v.at[pl.ds(row_base, 2 * N)], sem.at[i]).wait()
        neg16 = jnp.full((16,), NEG, jnp.float32)

        def seed(j, _k):
            cbufs[pl.ds(j * 16, 16)] = neg16
            cbufs[pl.ds(BUF + j * 16, 16)] = neg16
            return _k

        jax.lax.fori_loop(0, 8, seed, 0)
        cref[0] = 128
        cref[1] = 128
        tref[0] = NEG
        tref[1] = NEG

        def seg_body(si, _c):
            @pl.when((cref[0] >= TRIG) | (cref[1] >= TRIG) | (si >= SEGS))
            def _sel():
                def chk(ch, _k):
                    chbase = ch * BUF

                    @pl.when((cref[ch] >= TRIG) | (si >= SEGS))
                    def _of():
                        r = _select_top(cbufs, chbase, cref[ch], iota)
                        for j in range(8):
                            cbufs[pl.ds(chbase + j * 16, 16)] = r[j]
                        tref[ch] = jnp.min(r[7])
                        cref[ch] = 128

                    return _k

                jax.lax.fori_loop(0, 2, chk, 0)

            @pl.when(si < SEGS)
            def _append():
                tb = tref[0]
                td = tref[1]
                sb = si * 256

                @plsc.parallel_loop(0, SEG_VREGS, unroll=SEG_VREGS,
                                    carry=(cref[0], cref[1]))
                def final_cnt(j, c):
                    nb, nd = c
                    vb = rows_v[pl.ds(row_base + sb + j * 16, 16)]
                    vd = rows_v[pl.ds(row_base + sb + 128 + j * 16, 16)]
                    mb = vb > tb
                    md = vd > td
                    plsc.store_compressed(cbufs.at[pl.ds(nb, 16)], vb, mask=mb)
                    plsc.store_compressed(cbufs.at[pl.ds(BUF + nd, 16)], vd, mask=md)
                    return (nb + _popcnt(mb), nd + _popcnt(md))

                cref[0], cref[1] = final_cnt

            return _c

        jax.lax.fori_loop(0, SEGS + 1, seg_body, 0)

        obase = (row // 8) * 2048 + (row % 8) * 128

        def out_ch(ch, _k):
            pltpu.sync_copy(cbufs.at[pl.ds(ch * BUF, K)],
                            out_hbm.at[pl.ds(obase + ch * 1024, K)])
            return _k

        jax.lax.fori_loop(0, 2, out_ch, 0)
        return _r

    jax.lax.fori_loop(0, 2, row_body, 0)


def kernel(diagrams):
    x1d = diagrams.reshape(B, N // 128, 128, 2).transpose(0, 1, 3, 2).reshape(B * 2 * N)
    mesh = plsc.VectorSubcoreMesh(core_axis_name="c", subcore_axis_name="s")
    k = pl.kernel(
        _sc_body,
        mesh=mesh,
        out_type=jax.ShapeDtypeStruct((2 * K * B,), jnp.float32),
        compiler_params=pltpu.CompilerParams(needs_layout_passes=False),
        scratch_types=[
            pltpu.VMEM((4 * N,), jnp.float32),
            pltpu.VMEM((2 * BUF,), jnp.float32),
            pltpu.SMEM((2,), jnp.int32),
            pltpu.SMEM((2,), jnp.float32),
            pltpu.SemaphoreType.DMA((2,)),
        ],
    )
    out_flat = k(x1d)
    return out_flat.reshape(8, 2, 8, K).transpose(0, 2, 1, 3).reshape(B, 2 * K)

# --- scband reference (transcript-rebuilt; emitter-appended) ---
"""Pipeline reference for scband-top-kbirths-deaths-layer-13503377178708 (READ-ONLY COPY).

The authoritative reference and input builder live on the scoring server;
editing this copy changes nothing except your own understanding.
"""

import jax, jax.numpy as jnp
import numpy as np

K = 128
PAD_VALUE = 0.0


def setup_inputs(seed: int = 0) -> dict:
    key = jax.random.key(seed)
    diagrams = jax.random.normal(key, (64, 8192, 2), dtype=jnp.float32)
    return {"diagrams": diagrams}


def reference(diagrams):
    # diagrams: float32[B, N, 2]; iterating the torch List corresponds to the batch dim.
    # N=8192 >= K so the padding branch is never taken; torch.topk(largest=True, sorted=True)
    # maps directly to jax.lax.top_k.
    births = diagrams[:, :, 0]
    deaths = diagrams[:, :, 1]
    top_births, _ = jax.lax.top_k(births, K)
    top_deaths, _ = jax.lax.top_k(deaths, K)
    return jnp.concatenate([top_births, top_deaths], axis=-1)

if __name__ == "__main__":
    import jax
    _d = setup_inputs()
    print(jax.jit(kernel)(*tuple(_d.values())))

</pallas_src>

<mosaic_0001>
#map = affine_map<(d0, d1) -> (0)>
module attributes {stable_mosaic.version = 14 : i64} {
  func.func @_sc_body(%arg0: i32, %arg1: i32, %arg2: memref<1048576xf32, #tpu.memory_space<hbm>>, %arg3: memref<16384xf32, #tpu.memory_space<hbm>>, %arg4: memref<32768xf32, #tpu.memory_space<vmem>>, %arg5: memref<1152xf32, #tpu.memory_space<vmem>>, %arg6: memref<2xi32, #tpu.memory_space<smem>>, %arg7: memref<2xf32, #tpu.memory_space<smem>>, %arg8: memref<2x!tpu.dma_semaphore, #tpu.memory_space<semaphore_mem>>) attributes {dimension_semantics = [#tpu.dimension_semantics<core_parallel>, #tpu.dimension_semantics<subcore_parallel>], iteration_bounds = array<i64: 2, 16>, scalar_prefetch = 0 : i64, scratch_operands = 5 : i64, tpu.core_type = #tpu.core_type<sc_vector_subcore>, window_params = [{transform_indices = #map}, {transform_indices = #map}]} {
    %mul3A = arith.constant 16 : i32
    %mul3A_0 = arith.muli %arg0, %mul3A : i32
    %add3A = arith.addi %mul3A_0, %arg1 : i32
    %iota3A = tpu.iota {dimensions = array<i32: 0>} : vector<16xi32>
    %mul3A_1 = arith.constant 2 : i32
    %mul3A_2 = arith.muli %add3A, %mul3A_1 : i32
    %add3A_3 = arith.constant 0 : i32
    %add3A_4 = arith.addi %mul3A_2, %add3A_3 : i32
    %mul3A_5 = arith.constant 2 : i32
    %mul3A_6 = arith.muli %add3A_4, %mul3A_5 : i32
    %mul3A_7 = arith.constant 8192 : i32
    %mul3A_8 = arith.muli %mul3A_6, %mul3A_7 : i32
    %dma_start3A = arith.constant 0 : i32
    %dma_start3A_9 = arith.constant 0 : i32
    %dma_start3A_10 = tpu.memref_slice %arg4[%dma_start3A_9] : memref<32768xf32, #tpu.memory_space<vmem>> -> memref<16384xf32, #tpu.memory_space<vmem>>
    %dma_start3A_11 = tpu.memref_slice %arg2[%mul3A_8] : memref<1048576xf32, #tpu.memory_space<hbm>> -> memref<16384xf32, #tpu.memory_space<hbm>>
    %dma_start3A_12 = tpu.memref_slice %arg8[%dma_start3A] : memref<2x!tpu.dma_semaphore, #tpu.memory_space<semaphore_mem>> -> memref<1x!tpu.dma_semaphore, #tpu.memory_space<semaphore_mem>>
    %dma_start3A_13 = tpu.memref_squeeze %dma_start3A_12 : memref<1x!tpu.dma_semaphore, #tpu.memory_space<semaphore_mem>> -> memref<!tpu.dma_semaphore, #tpu.memory_space<semaphore_mem>>
    %dma_start3A_14 = arith.constant 0 : i32
    %dma_start3A_15 = tpu.memref_slice %arg4[%dma_start3A_14] : memref<32768xf32, #tpu.memory_space<vmem>> -> memref<16384xf32, #tpu.memory_space<vmem>>
    %dma_start3A_16 = tpu.memref_slice %arg2[%mul3A_8] : memref<1048576xf32, #tpu.memory_space<hbm>> -> memref<16384xf32, #tpu.memory_space<hbm>>
    tpu.enqueue_dma source(%dma_start3A_16 : memref<16384xf32, #tpu.memory_space<hbm>>) target(%dma_start3A_15 : memref<16384xf32, #tpu.memory_space<vmem>>) target_semaphore(%dma_start3A_13 : memref<!tpu.dma_semaphore, #tpu.memory_space<semaphore_mem>>)
    %mul3A_17 = arith.constant 2 : i32
    %mul3A_18 = arith.muli %add3A, %mul3A_17 : i32
    %add3A_19 = arith.constant 1 : i32
    %add3A_20 = arith.addi %mul3A_18, %add3A_19 : i32
    %mul3A_21 = arith.constant 2 : i32
    %mul3A_22 = arith.muli %add3A_20, %mul3A_21 : i32
    %mul3A_23 = arith.constant 8192 : i32
    %mul3A_24 = arith.muli %mul3A_22, %mul3A_23 : i32
    %dma_start3A_25 = arith.constant 1 : i32
    %dma_start3A_26 = arith.constant 16384 : i32
    %dma_start3A_27 = tpu.memref_slice %arg4[%dma_start3A_26] : memref<32768xf32, #tpu.memory_space<vmem>> -> memref<16384xf32, #tpu.memory_space<vmem>>
    %dma_start3A_28 = tpu.memref_slice %arg2[%mul3A_24] : memref<1048576xf32, #tpu.memory_space<hbm>> -> memref<16384xf32, #tpu.memory_space<hbm>>
    %dma_start3A_29 = tpu.memref_slice %arg8[%dma_start3A_25] : memref<2x!tpu.dma_semaphore, #tpu.memory_space<semaphore_mem>> -> memref<1x!tpu.dma_semaphore, #tpu.memory_space<semaphore_mem>>
    %dma_start3A_30 = tpu.memref_squeeze %dma_start3A_29 : memref<1x!tpu.dma_semaphore, #tpu.memory_space<semaphore_mem>> -> memref<!tpu.dma_semaphore, #tpu.memory_space<semaphore_mem>>
    %dma_start3A_31 = arith.constant 16384 : i32
    %dma_start3A_32 = tpu.memref_slice %arg4[%dma_start3A_31] : memref<32768xf32, #tpu.memory_space<vmem>> -> memref<16384xf32, #tpu.memory_space<vmem>>
    %dma_start3A_33 = tpu.memref_slice %arg2[%mul3A_24] : memref<1048576xf32, #tpu.memory_space<hbm>> -> memref<16384xf32, #tpu.memory_space<hbm>>
    tpu.enqueue_dma source(%dma_start3A_33 : memref<16384xf32, #tpu.memory_space<hbm>>) target(%dma_start3A_32 : memref<16384xf32, #tpu.memory_space<vmem>>) target_semaphore(%dma_start3A_30 : memref<!tpu.dma_semaphore, #tpu.memory_space<semaphore_mem>>)
    %scan3A = arith.constant 0 : i32
    %scan3A_34 = arith.constant 0 : i32
    %scan3A_35 = arith.constant 2 : i32
    %scan3A_36 = arith.addi %scan3A_34, %scan3A_35 : i32
    %scan3A_37 = arith.constant 1 : i32
    scf.for %scan3A_39 = %scan3A_34 to %scan3A_36 step %scan3A_37  : i32 {
      %mul3A_40 = arith.constant 2 : i32
      %mul3A_41 = arith.muli %add3A, %mul3A_40 : i32
      %add3A_42 = arith.addi %mul3A_41, %scan3A_39 : i32
      %mul3A_43 = arith.constant 2 : i32
      %mul3A_44 = arith.muli %scan3A_39, %mul3A_43 : i32
      %mul3A_45 = arith.constant 8192 : i32
      %mul3A_46 = arith.muli %mul3A_44, %mul3A_45 : i32
      %mul3A_47 = arith.constant 2 : i32
      %mul3A_48 = arith.muli %add3A, %mul3A_47 : i32
      %add3A_49 = arith.addi %mul3A_48, %scan3A_39 : i32
      %mul3A_50 = arith.constant 2 : i32
      %mul3A_51 = arith.muli %add3A_49, %mul3A_50 : i32
      %mul3A_52 = arith.constant 8192 : i32
      %mul3A_53 = arith.muli %mul3A_51, %mul3A_52 : i32
      %dma_wait3A = tpu.memref_slice %arg4[%mul3A_46] : memref<32768xf32, #tpu.memory_space<vmem>> -> memref<16384xf32, #tpu.memory_space<vmem>>
      %dma_wait3A_54 = tpu.memref_slice %arg2[%mul3A_53] : memref<1048576xf32, #tpu.memory_space<hbm>> -> memref<16384xf32, #tpu.memory_space<hbm>>
      %dma_wait3A_55 = tpu.memref_slice %arg8[%scan3A_39] : memref<2x!tpu.dma_semaphore, #tpu.memory_space<semaphore_mem>> -> memref<1x!tpu.dma_semaphore, #tpu.memory_space<semaphore_mem>>
      %dma_wait3A_56 = tpu.memref_squeeze %dma_wait3A_55 : memref<1x!tpu.dma_semaphore, #tpu.memory_space<semaphore_mem>> -> memref<!tpu.dma_semaphore, #tpu.memory_space<semaphore_mem>>
      %dma_wait3A_57 = tpu.memref_slice %arg4[%mul3A_46] : memref<32768xf32, #tpu.memory_space<vmem>> -> memref<16384xf32, #tpu.memory_space<vmem>>
      %dma_wait3A_58 = tpu.memref_slice %arg2[%mul3A_53] : memref<1048576xf32, #tpu.memory_space<hbm>> -> memref<16384xf32, #tpu.memory_space<hbm>>
      tpu.wait_dma2 semaphore(%dma_wait3A_56 : memref<!tpu.dma_semaphore, #tpu.memory_space<semaphore_mem>>) src(%dma_wait3A_58 : memref<16384xf32, #tpu.memory_space<hbm>>) dst(%dma_wait3A_57 : memref<16384xf32, #tpu.memory_space<vmem>>)
      %broadcast_in_dim3A = arith.constant 0xFF800000 : f32
      %broadcast_in_dim3A_59 = vector.broadcast %broadcast_in_dim3A : f32 to vector<16xf32>
      %scan3A_60 = arith.constant 0 : i32
      %scan3A_61 = arith.constant 0 : i32
      %scan3A_62 = arith.constant 8 : i32
      %scan3A_63 = arith.addi %scan3A_61, %scan3A_62 : i32
      %scan3A_64 = arith.constant 1 : i32
      scf.for %scan3A_128 = %scan3A_61 to %scan3A_63 step %scan3A_64  : i32 {
        %mul3A_129 = arith.constant 16 : i32
        %mul3A_130 = arith.muli %scan3A_128, %mul3A_129 : i32
        %swap3A_131 = arith.index_cast %mul3A_130 : i32 to index
        %swap3A_132 = tpu.vector_load %arg5[%swap3A_131] {strides = array<i32>} : memref<1152xf32, #tpu.memory_space<vmem>>, vector<16xf32>,
        tpu.vector_store %arg5[%swap3A_131], %broadcast_in_dim3A_59 {strides = array<i32>} : memref<1152xf32, #tpu.memory_space<vmem>>, vector<16xf32>,
        %mul3A_133 = arith.constant 16 : i32
        %mul3A_134 = arith.muli %scan3A_128, %mul3A_133 : i32
        %add3A_135 = arith.constant 576 : i32
        %add3A_136 = arith.addi %add3A_135, %mul3A_134 : i32
        %swap3A_137 = arith.index_cast %add3A_136 : i32 to index
        %swap3A_138 = tpu.vector_load %arg5[%swap3A_137] {strides = array<i32>} : memref<1152xf32, #tpu.memory_space<vmem>>, vector<16xf32>,
        tpu.vector_store %arg5[%swap3A_137], %broadcast_in_dim3A_59 {strides = array<i32>} : memref<1152xf32, #tpu.memory_space<vmem>>, vector<16xf32>,
      }
      %scan3A_65 = arith.constant 8 : i32
      %swap3A = arith.constant 128 : i32
      %swap3A_66 = arith.constant 0 : i32
      %swap3A_67 = arith.index_cast %swap3A_66 : i32 to index
      %swap3A_68 = memref.load %arg6[%swap3A_67] : memref<2xi32, #tpu.memory_space<smem>>
      memref.store %swap3A, %arg6[%swap3A_67] : memref<2xi32, #tpu.memory_space<smem>>
      %swap3A_69 = arith.constant 128 : i32
      %swap3A_70 = arith.constant 1 : i32
      %swap3A_71 = arith.index_cast %swap3A_70 : i32 to index
      %swap3A_72 = memref.load %arg6[%swap3A_71] : memref<2xi32, #tpu.memory_space<smem>>
      memref.store %swap3A_69, %arg6[%swap3A_71] : memref<2xi32, #tpu.memory_space<smem>>
      %swap3A_73 = arith.constant 0xFF800000 : f32
      %swap3A_74 = arith.constant 0 : i32
      %swap3A_75 = arith.index_cast %swap3A_74 : i32 to index
      %swap3A_76 = memref.load %arg7[%swap3A_75] : memref<2xf32, #tpu.memory_space<smem>>
      memref.store %swap3A_73, %arg7[%swap3A_75] : memref<2xf32, #tpu.memory_space<smem>>
      %swap3A_77 = arith.constant 0xFF800000 : f32
      %swap3A_78 = arith.constant 1 : i32
      %swap3A_79 = arith.index_cast %swap3A_78 : i32 to index
      %swap3A_80 = memref.load %arg7[%swap3A_79] : memref<2xf32, #tpu.memory_space<smem>>
      memref.store %swap3A_77, %arg7[%swap3A_79] : memref<2xf32, #tpu.memory_space<smem>>
      %scan3A_81 = arith.constant 0 : i32
      %scan3A_82 = arith.constant 0 : i32
      %scan3A_83 = arith.constant 65 : i32
      %scan3A_84 = arith.addi %scan3A_82, %scan3A_83 : i32
      %scan3A_85 = arith.constant 1 : i32
      scf.for %scan3A_128 = %scan3A_82 to %scan3A_84 step %scan3A_85  : i32 {
        %get3A = arith.constant 0 : i32
        %get3A_129 = arith.index_cast %get3A : i32 to index
        %get3A_130 = memref.load %arg6[%get3A_129] : memref<2xi32, #tpu.memory_space<smem>>
        %ge3A = arith.constant 384 : i32
        %ge3A_131 = arith.cmpi sge, %get3A_130, %ge3A : i32
        %get3A_132 = arith.constant 1 : i32
        %get3A_133 = arith.index_cast %get3A_132 : i32 to index
        %get3A_134 = memref.load %arg6[%get3A_133] : memref<2xi32, #tpu.memory_space<smem>>
        %ge3A_135 = arith.constant 384 : i32
        %ge3A_136 = arith.cmpi sge, %get3A_134, %ge3A_135 : i32
        %or3A = arith.ori %ge3A_131, %ge3A_136 : i1
        %ge3A_137 = arith.constant 64 : i32
        %ge3A_138 = arith.cmpi sge, %scan3A_128, %ge3A_137 : i32
        %or3A_139 = arith.ori %or3A, %ge3A_138 : i1
        %convert_element_type3A = arith.extui %or3A_139 : i1 to i32
        %cond3A = arith.constant 0 : i32
        %cond3A_140 = arith.cmpi ne, %convert_element_type3A, %cond3A : i32
        scf.if %cond3A_140 {
          %scan3A_146 = arith.constant 0 : i32
          %scan3A_147 = arith.constant 0 : i32
          %scan3A_148 = arith.constant 2 : i32
          %scan3A_149 = arith.addi %scan3A_147, %scan3A_148 : i32
          %scan3A_150 = arith.constant 1 : i32
          scf.for %scan3A_152 = %scan3A_147 to %scan3A_149 step %scan3A_150  : i32 {
            %mul3A_153 = arith.constant 576 : i32
            %mul3A_154 = arith.muli %scan3A_152, %mul3A_153 : i32
            %get3A_155 = arith.index_cast %scan3A_152 : i32 to index
            %get3A_156 = memref.load %arg6[%get3A_155] : memref<2xi32, #tpu.memory_space<smem>>
            %ge3A_157 = arith.constant 384 : i32
            %ge3A_158 = arith.cmpi sge, %get3A_156, %ge3A_157 : i32
            %ge3A_159 = arith.constant 64 : i32
            %ge3A_160 = arith.cmpi sge, %scan3A_128, %ge3A_159 : i32
            %or3A_161 = arith.ori %ge3A_158, %ge3A_160 : i1
            %convert_element_type3A_162 = arith.extui %or3A_161 : i1 to i32
            %cond3A_163 = arith.constant 0 : i32
            %cond3A_164 = arith.cmpi ne, %convert_element_type3A_162, %cond3A_163 : i32
            scf.if %cond3A_164 {
              %get3A_165 = arith.index_cast %scan3A_152 : i32 to index
              %get3A_166 = memref.load %arg6[%get3A_165] : memref<2xi32, #tpu.memory_space<smem>>
              %scan3A_167 = arith.constant 0 : i32
              %scan3A_168 = arith.constant 1 : i32
              %scan3A_169 = arith.constant 3 : i32
              %scan3A_170 = arith.addi %scan3A_168, %scan3A_169 : i32
              %scan3A_171 = arith.constant 1 : i32
              scf.for %scan3A_251 = %scan3A_168 to %scan3A_170 step %scan3A_171  : i32 {
                %mul3A_252 = arith.constant 128 : i32
                %mul3A_253 = arith.muli %scan3A_251, %mul3A_252 : i32
                %add3A_254 = arith.addi %mul3A_154, %mul3A_253 : i32
                %mul3A_255 = arith.constant 128 : i32
                %mul3A_256 = arith.muli %scan3A_251, %mul3A_255 : i32
                %add3A_257 = arith.constant 0 : i32
                %add3A_258 = arith.addi %mul3A_256, %add3A_257 : i32
                %add3A_259 = arith.addi %mul3A_154, %add3A_258 : i32
                %get3A_260 = arith.index_cast %add3A_259 : i32 to index
                %get3A_261 = tpu.vector_load %arg5[%get3A_260] {strides = array<i32>} : memref<1152xf32, #tpu.memory_space<vmem>>, vector<16xf32>,
                %add3A_262 = vector.broadcast %add3A_258 : i32 to vector<16xi32>
                %add3A_263 = arith.addi %add3A_262, %iota3A : vector<16xi32>
                %lt3A_264 = vector.broadcast %get3A_166 : i32 to vector<16xi32>
                %lt3A_265 = arith.cmpi slt, %add3A_263, %lt3A_264 : vector<16xi32>
                %jit3A_266 = arith.constant 0xFF800000 : f32
                %broadcast_in_dim3A_267 = vector.broadcast %jit3A_266 : f32 to vector<16xf32>
                %select_n3A_268 = arith.select %lt3A_265, %get3A_261, %broadcast_in_dim3A_267 : vector<16xi1>, vector<16xf32>
                %add3A_269 = arith.constant 16 : i32
                %add3A_270 = arith.addi %mul3A_256, %add3A_269 : i32
                %add3A_271 = arith.addi %mul3A_154, %add3A_270 : i32
                %get3A_272 = arith.index_cast %add3A_271 : i32 to index
                %get3A_273 = tpu.vector_load %arg5[%get3A_272] {strides = array<i32>} : memref<1152xf32, #tpu.memory_space<vmem>>, vector<16xf32>,
                %add3A_274 = vector.broadcast %add3A_270 : i32 to vector<16xi32>
                %add3A_275 = arith.addi %add3A_274, %iota3A : vector<16xi32>
                %lt3A_276 = vector.broadcast %get3A_166 : i32 to vector<16xi32>
                %lt3A_277 = arith.cmpi slt, %add3A_275, %lt3A_276 : vector<16xi32>
                %jit3A_278 = arith.constant 0xFF800000 : f32
                %broadcast_in_dim3A_279 = vector.broadcast %jit3A_278 : f32 to vector<16xf32>
                %select_n3A_280 = arith.select %lt3A_277, %get3A_273, %broadcast_in_dim3A_279 : vector<16xi1>, vector<16xf32>
                %add3A_281 = arith.constant 32 : i32
                %add3A_282 = arith.addi %mul3A_256, %add3A_281 : i32
                %add3A_283 = arith.addi %mul3A_154, %add3A_282 : i32
                %get3A_284 = arith.index_cast %add3A_283 : i32 to index
                %get3A_285 = tpu.vector_load %arg5[%get3A_284] {strides = array<i32>} : memref<1152xf32, #tpu.memory_space<vmem>>, vector<16xf32>,
                %add3A_286 = vector.broadcast %add3A_282 : i32 to vector<16xi32>
                %add3A_287 = arith.addi %add3A_286, %iota3A : vector<16xi32>
                %lt3A_288 = vector.broadcast %get3A_166 : i32 to vector<16xi32>
                %lt3A_289 = arith.cmpi slt, %add3A_287, %lt3A_288 : vector<16xi32>
                %jit3A_290 = arith.constant 0xFF800000 : f32
                %broadcast_in_dim3A_291 = vector.broadcast %jit3A_290 : f32 to vector<16xf32>
                %select_n3A_292 = arith.select %lt3A_289, %get3A_285, %broadcast_in_dim3A_291 : vector<16xi1>, vector<16xf32>
                %add3A_293 = arith.constant 48 : i32
                %add3A_294 = arith.addi %mul3A_256, %add3A_293 : i32
                %add3A_295 = arith.addi %mul3A_154, %add3A_294 : i32
                %get3A_296 = arith.index_cast %add3A_295 : i32 to index
                %get3A_297 = tpu.vector_load %arg5[%get3A_296] {strides = array<i32>} : memref<1152xf32, #tpu.memory_space<vmem>>, vector<16xf32>,
                %add3A_298 = vector.broadcast %add3A_294 : i32 to vector<16xi32>
                %add3A_299 = arith.addi %add3A_298, %iota3A : vector<16xi32>
                %lt3A_300 = vector.broadcast %get3A_166 : i32 to vector<16xi32>
                %lt3A_301 = arith.cmpi slt, %add3A_299, %lt3A_300 : vector<16xi32>
                %jit3A_302 = arith.constant 0xFF800000 : f32
                %broadcast_in_dim3A_303 = vector.broadcast %jit3A_302 : f32 to vector<16xf32>
                %select_n3A_304 = arith.select %lt3A_301, %get3A_297, %broadcast_in_dim3A_303 : vector<16xi1>, vector<16xf32>
                %add3A_305 = arith.constant 64 : i32
                %add3A_306 = arith.addi %mul3A_256, %add3A_305 : i32
                %add3A_307 = arith.addi %mul3A_154, %add3A_306 : i32
                %get3A_308 = arith.index_cast %add3A_307 : i32 to index
                %get3A_309 = tpu.vector_load %arg5[%get3A_308] {strides = array<i32>} : memref<1152xf32, #tpu.memory_space<vmem>>, vector<16xf32>,
                %add3A_310 = vector.broadcast %add3A_306 : i32 to vector<16xi32>
                %add3A_311 = arith.addi %add3A_310, %iota3A : vector<16xi32>
                %lt3A_312 = vector.broadcast %get3A_166 : i32 to vector<16xi32>
                %lt3A_313 = arith.cmpi slt, %add3A_311, %lt3A_312 : vector<16xi32>
                %jit3A_314 = arith.constant 0xFF800000 : f32
                %broadcast_in_dim3A_315 = vector.broadcast %jit3A_314 : f32 to vector<16xf32>
                %select_n3A_316 = arith.select %lt3A_313, %get3A_309, %broadcast_in_dim3A_315 : vector<16xi1>, vector<16xf32>
                %add3A_317 = arith.constant 80 : i32
                %add3A_318 = arith.addi %mul3A_256, %add3A_317 : i32
                %add3A_319 = arith.addi %mul3A_154, %add3A_318 : i32
                %get3A_320 = arith.index_cast %add3A_319 : i32 to index
                %get3A_321 = tpu.vector_load %arg5[%get3A_320] {strides = array<i32>} : memref<1152xf32, #tpu.memory_space<vmem>>, vector<16xf32>,
                %add3A_322 = vector.broadcast %add3A_318 : i32 to vector<16xi32>
                %add3A_323 = arith.addi %add3A_322, %iota3A : vector<16xi32>
                %lt3A_324 = vector.broadcast %get3A_166 : i32 to vector<16xi32>
                %lt3A_325 = arith.cmpi slt, %add3A_323, %lt3A_324 : vector<16xi32>
                %jit3A_326 = arith.constant 0xFF800000 : f32
                %broadcast_in_dim3A_327 = vector.broadcast %jit3A_326 : f32 to vector<16xf32>
                %select_n3A_328 = arith.select %lt3A_325, %get3A_321, %broadcast_in_dim3A_327 : vector<16xi1>, vector<16xf32>
                %add3A_329 = arith.constant 96 : i32
                %add3A_330 = arith.addi %mul3A_256, %add3A_329 : i32
                %add3A_331 = arith.addi %mul3A_154, %add3A_330 : i32
                %get3A_332 = arith.index_cast %add3A_331 : i32 to index
                %get3A_333 = tpu.vector_load %arg5[%get3A_332] {strides = array<i32>} : memref<1152xf32, #tpu.memory_space<vmem>>, vector<16xf32>,
                %add3A_334 = vector.broadcast %add3A_330 : i32 to vector<16xi32>
                %add3A_335 = arith.addi %add3A_334, %iota3A : vector<16xi32>
                %lt3A_336 = vector.broadcast %get3A_166 : i32 to vector<16xi32>
                %lt3A_337 = arith.cmpi slt, %add3A_335, %lt3A_336 : vector<16xi32>
                %jit3A_338 = arith.constant 0xFF800000 : f32
                %broadcast_in_dim3A_339 = vector.broadcast %jit3A_338 : f32 to vector<16xf32>
                %select_n3A_340 = arith.select %lt3A_337, %get3A_333, %broadcast_in_dim3A_339 : vector<16xi1>, vector<16xf32>
                %add3A_341 = arith.constant 112 : i32
                %add3A_342 = arith.addi %mul3A_256, %add3A_341 : i32
                %add3A_343 = arith.addi %mul3A_154, %add3A_342 : i32
                %get3A_344 = arith.index_cast %add3A_343 : i32 to index
                %get3A_345 = tpu.vector_load %arg5[%get3A_344] {strides = array<i32>} : memref<1152xf32, #tpu.memory_space<vmem>>, vector<16xf32>,
                %add3A_346 = vector.broadcast %add3A_342 : i32 to vector<16xi32>
                %add3A_347 = arith.addi %add3A_346, %iota3A : vector<16xi32>
                %lt3A_348 = vector.broadcast %get3A_166 : i32 to vector<16xi32>
                %lt3A_349 = arith.cmpi slt, %add3A_347, %lt3A_348 : vector<16xi32>
                %jit3A_350 = arith.constant 0xFF800000 : f32
                %broadcast_in_dim3A_351 = vector.broadcast %jit3A_350 : f32 to vector<16xf32>
                %select_n3A_352 = arith.select %lt3A_349, %get3A_345, %broadcast_in_dim3A_351 : vector<16xi1>, vector<16xf32>
                %masked_sort3A = arith.constant dense<true> : vector<16xi1>
                %masked_sort3A_353, %masked_sort3A_354, %masked_sort3A_355 = tpu.sort %select_n3A_268, %select_n3A_268 masked %masked_sort3A {descending = true} : (vector<16xf32>, vector<16xf32>, vector<16xi1>) -> (vector<16xi1>, vector<16xf32>, vector<16xf32>)
                %masked_sort3A_356 = arith.constant dense<true> : vector<16xi1>
                %masked_sort3A_357, %masked_sort3A_358, %masked_sort3A_359 = tpu.sort %select_n3A_280, %select_n3A_280 masked %masked_sort3A_356 : (vector<16xf32>, vector<16xf32>, vector<16xi1>) -> (vector<16xi1>, vector<16xf32>, vector<16xf32>)
                %masked_sort3A_360 = arith.constant dense<true> : vector<16xi1>
                %masked_sort3A_361, %masked_sort3A_362, %masked_sort3A_363 = tpu.sort %select_n3A_292, %select_n3A_292 masked %masked_sort3A_360 {descending = true} : (vector<16xf32>, vector<16xf32>, vector<16xi1>) -> (vector<16xi1>, vector<16xf32>, vector<16xf32>)
                %masked_sort3A_364 = arith.constant dense<true> : vector<16xi1>
                %masked_sort3A_365, %masked_sort3A_366, %masked_sort3A_367 = tpu.sort %select_n3A_304, %select_n3A_304 masked %masked_sort3A_364 : (vector<16xf32>, vector<16xf32>, vector<16xi1>) -> (vector<16xi1>, vector<16xf32>, vector<16xf32>)
                %masked_sort3A_368 = arith.constant dense<true> : vector<16xi1>
                %masked_sort3A_369, %masked_sort3A_370, %masked_sort3A_371 = tpu.sort %select_n3A_316, %select_n3A_316 masked %masked_sort3A_368 {descending = true} : (vector<16xf32>, vector<16xf32>, vector<16xi1>) -> (vector<16xi1>, vector<16xf32>, vector<16xf32>)
                %masked_sort3A_372 = arith.constant dense<true> : vector<16xi1>
                %masked_sort3A_373, %masked_sort3A_374, %masked_sort3A_375 = tpu.sort %select_n3A_328, %select_n3A_328 masked %masked_sort3A_372 : (vector<16xf32>, vector<16xf32>, vector<16xi1>) -> (vector<16xi1>, vector<16xf32>, vector<16xf32>)
                %masked_sort3A_376 = arith.constant dense<true> : vector<16xi1>
                %masked_sort3A_377, %masked_sort3A_378, %masked_sort3A_379 = tpu.sort %select_n3A_340, %select_n3A_340 masked %masked_sort3A_376 {descending = true} : (vector<16xf32>, vector<16xf32>, vector<16xi1>) -> (vector<16xi1>, vector<16xf32>, vector<16xf32>)
                %masked_sort3A_380 = arith.constant dense<true> : vector<16xi1>
                %masked_sort3A_381, %masked_sort3A_382, %masked_sort3A_383 = tpu.sort %select_n3A_352, %select_n3A_352 masked %masked_sort3A_380 : (vector<16xf32>, vector<16xf32>, vector<16xi1>) -> (vector<16xi1>, vector<16xf32>, vector<16xf32>)
                %max3A = arith.maximumf %masked_sort3A_354, %masked_sort3A_358 : vector<16xf32>
                %min3A = arith.minimumf %masked_sort3A_354, %masked_sort3A_358 : vector<16xf32>
                %masked_sort3A_384 = arith.constant dense<true> : vector<16xi1>
                %masked_sort3A_385, %masked_sort3A_386, %masked_sort3A_387 = tpu.sort %max3A, %max3A masked %masked_sort3A_384 {descending = true} : (vector<16xf32>, vector<16xf32>, vector<16xi1>) -> (vector<16xi1>, vector<16xf32>, vector<16xf32>)
                %masked_sort3A_388 = arith.constant dense<true> : vector<16xi1>
                %masked_sort3A_389, %masked_sort3A_390, %masked_sort3A_391 = tpu.sort %min3A, %min3A masked %masked_sort3A_388 {descending = true} : (vector<16xf32>, vector<16xf32>, vector<16xi1>) -> (vector<16xi1>, vector<16xf32>, vector<16xf32>)
                %min3A_392 = arith.minimumf %masked_sort3A_362, %masked_sort3A_366 : vector<16xf32>
                %max3A_393 = arith.maximumf %masked_sort3A_362, %masked_sort3A_366 : vector<16xf32>
                %masked_sort3A_394 = arith.constant dense<true> : vector<16xi1>
                %masked_sort3A_395, %masked_sort3A_396, %masked_sort3A_397 = tpu.sort %min3A_392, %min3A_392 masked %masked_sort3A_394 : (vector<16xf32>, vector<16xf32>, vector<16xi1>) -> (vector<16xi1>, vector<16xf32>, vector<16xf32>)
                %masked_sort3A_398 = arith.constant dense<true> : vector<16xi1>
                %masked_sort3A_399, %masked_sort3A_400, %masked_sort3A_401 = tpu.sort %max3A_393, %max3A_393 masked %masked_sort3A_398 : (vector<16xf32>, vector<16xf32>, vector<16xi1>) -> (vector<16xi1>, vector<16xf32>, vector<16xf32>)
                %max3A_402 = arith.maximumf %masked_sort3A_370, %masked_sort3A_374 : vector<16xf32>
                %min3A_403 = arith.minimumf %masked_sort3A_370, %masked_sort3A_374 : vector<16xf32>
                %masked_sort3A_404 = arith.constant dense<true> : vector<16xi1>
                %masked_sort3A_405, %masked_sort3A_406, %masked_sort3A_407 = tpu.sort %max3A_402, %max3A_402 masked %masked_sort3A_404 {descending = true} : (vector<16xf32>, vector<16xf32>, vector<16xi1>) -> (vector<16xi1>, vector<16xf32>, vector<16xf32>)
                %masked_sort3A_408 = arith.constant dense<true> : vector<16xi1>
                %masked_sort3A_409, %masked_sort3A_410, %masked_sort3A_411 = tpu.sort %min3A_403, %min3A_403 masked %masked_sort3A_408 {descending = true} : (vector<16xf32>, vector<16xf32>, vector<16xi1>) -> (vector<16xi1>, vector<16xf32>, vector<16xf32>)
                %min3A_412 = arith.minimumf %masked_sort3A_378, %masked_sort3A_382 : vector<16xf32>
                %max3A_413 = arith.maximumf %masked_sort3A_378, %masked_sort3A_382 : vector<16xf32>
                %masked_sort3A_414 = arith.constant dense<true> : vector<16xi1>
                %masked_sort3A_415, %masked_sort3A_416, %masked_sort3A_417 = tpu.sort %min3A_412, %min3A_412 masked %masked_sort3A_414 : (vector<16xf32>, vector<16xf32>, vector<16xi1>) -> (vector<16xi1>, vector<16xf32>, vector<16xf32>)
                %masked_sort3A_418 = arith.constant dense<true> : vector<16xi1>
                %masked_sort3A_419, %masked_sort3A_420, %masked_sort3A_421 = tpu.sort %max3A_413, %max3A_413 masked %masked_sort3A_418 : (vector<16xf32>, vector<16xf32>, vector<16xi1>) -> (vector<16xi1>, vector<16xf32>, vector<16xf32>)
                %max3A_422 = arith.maximumf %masked_sort3A_386, %masked_sort3A_396 : vector<16xf32>
                %min3A_423 = arith.minimumf %masked_sort3A_386, %masked_sort3A_396 : vector<16xf32>
                %max3A_424 = arith.maximumf %masked_sort3A_390, %masked_sort3A_400 : vector<16xf32>
                %min3A_425 = arith.minimumf %masked_sort3A_390, %masked_sort3A_400 : vector<16xf32>
                %max3A_426 = arith.maximumf %max3A_422, %max3A_424 : vector<16xf32>
                %min3A_427 = arith.minimumf %max3A_422, %max3A_424 : vector<16xf32>
                %max3A_428 = arith.maximumf %min3A_423, %min3A_425 : vector<16xf32>
                %min3A_429 = arith.minimumf %min3A_423, %min3A_425 : vector<16xf32>
                %masked_sort3A_430 = arith.constant dense<true> : vector<16xi1>
                %masked_sort3A_431, %masked_sort3A_432, %masked_sort3A_433 = tpu.sort %max3A_426, %max3A_426 masked %masked_sort3A_430 {descending = true} : (vector<16xf32>, vector<16xf32>, vector<16xi1>) -> (vector<16xi1>, vector<16xf32>, vector<16xf32>)
                %masked_sort3A_434 = arith.constant dense<true> : vector<16xi1>
                %masked_sort3A_435, %masked_sort3A_436, %masked_sort3A_437 = tpu.sort %min3A_427, %min3A_427 masked %masked_sort3A_434 {descending = true} : (vector<16xf32>, vector<16xf32>, vector<16xi1>) -> (vector<16xi1>, vector<16xf32>, vector<16xf32>)
                %masked_sort3A_438 = arith.constant dense<true> : vector<16xi1>
                %masked_sort3A_439, %masked_sort3A_440, %masked_sort3A_441 = tpu.sort %max3A_428, %max3A_428 masked %masked_sort3A_438 {descending = true} : (vector<16xf32>, vector<16xf32>, vector<16xi1>) -> (vector<16xi1>, vector<16xf32>, vector<16xf32>)
                %masked_sort3A_442 = arith.constant dense<true> : vector<16xi1>
                %masked_sort3A_443, %masked_sort3A_444, %masked_sort3A_445 = tpu.sort %min3A_429, %min3A_429 masked %masked_sort3A_442 {descending = true} : (vector<16xf32>, vector<16xf32>, vector<16xi1>) -> (vector<16xi1>, vector<16xf32>, vector<16xf32>)
                %min3A_446 = arith.minimumf %masked_sort3A_406, %masked_sort3A_416 : vector<16xf32>
                %max3A_447 = arith.maximumf %masked_sort3A_406, %masked_sort3A_416 : vector<16xf32>
                %min3A_448 = arith.minimumf %masked_sort3A_410, %masked_sort3A_420 : vector<16xf32>
                %max3A_449 = arith.maximumf %masked_sort3A_410, %masked_sort3A_420 : vector<16xf32>
                %min3A_450 = arith.minimumf %min3A_446, %min3A_448 : vector<16xf32>
                %max3A_451 = arith.maximumf %min3A_446, %min3A_448 : vector<16xf32>
                %min3A_452 = arith.minimumf %max3A_447, %max3A_449 : vector<16xf32>
                %max3A_453 = arith.maximumf %max3A_447, %max3A_449 : vector<16xf32>
                %masked_sort3A_454 = arith.constant dense<true> : vector<16xi1>
                %masked_sort3A_455, %masked_sort3A_456, %masked_sort3A_457 = tpu.sort %min3A_450, %min3A_450 masked %masked_sort3A_454 : (vector<16xf32>, vector<16xf32>, vector<16xi1>) -> (vector<16xi1>, vector<16xf32>, vector<16xf32>)
                %masked_sort3A_458 = arith.constant dense<true> : vector<16xi1>
                %masked_sort3A_459, %masked_sort3A_460, %masked_sort3A_461 = tpu.sort %max3A_451, %max3A_451 masked %masked_sort3A_458 : (vector<16xf32>, vector<16xf32>, vector<16xi1>) -> (vector<16xi1>, vector<16xf32>, vector<16xf32>)
                %masked_sort3A_462 = arith.constant dense<true> : vector<16xi1>
                %masked_sort3A_463, %masked_sort3A_464, %masked_sort3A_465 = tpu.sort %min3A_452, %min3A_452 masked %masked_sort3A_462 : (vector<16xf32>, vector<16xf32>, vector<16xi1>) -> (vector<16xi1>, vector<16xf32>, vector<16xf32>)
                %masked_sort3A_466 = arith.constant dense<true> : vector<16xi1>
                %masked_sort3A_467, %masked_sort3A_468, %masked_sort3A_469 = tpu.sort %max3A_453, %max3A_453 masked %masked_sort3A_466 : (vector<16xf32>, vector<16xf32>, vector<16xi1>) -> (vector<16xi1>, vector<16xf32>, vector<16xf32>)
                %max3A_470 = arith.maximumf %masked_sort3A_432, %masked_sort3A_456 : vector<16xf32>
                %min3A_471 = arith.minimumf %masked_sort3A_432, %masked_sort3A_456 : vector<16xf32>
                %max3A_472 = arith.maximumf %masked_sort3A_436, %masked_sort3A_460 : vector<16xf32>
                %min3A_473 = arith.minimumf %masked_sort3A_436, %masked_sort3A_460 : vector<16xf32>
                %max3A_474 = arith.maximumf %masked_sort3A_440, %masked_sort3A_464 : vector<16xf32>
                %min3A_475 = arith.minimumf %masked_sort3A_440, %masked_sort3A_464 : vector<16xf32>
                %max3A_476 = arith.maximumf %masked_sort3A_444, %masked_sort3A_468 : vector<16xf32>
                %min3A_477 = arith.minimumf %masked_sort3A_444, %masked_sort3A_468 : vector<16xf32>
                %max3A_478 = arith.maximumf %max3A_470, %max3A_474 : vector<16xf32>
                %min3A_479 = arith.minimumf %max3A_470, %max3A_474 : vector<16xf32>
                %max3A_480 = arith.maximumf %max3A_472, %max3A_476 : vector<16xf32>
                %min3A_481 = arith.minimumf %max3A_472, %max3A_476 : vector<16xf32>
                %max3A_482 = arith.maximumf %min3A_471, %min3A_475 : vector<16xf32>
                %min3A_483 = arith.minimumf %min3A_471, %min3A_475 : vector<16xf32>
                %max3A_484 = arith.maximumf %min3A_473, %min3A_477 : vector<16xf32>
                %min3A_485 = arith.minimumf %min3A_473, %min3A_477 : vector<16xf32>
                %max3A_486 = arith.maximumf %max3A_478, %max3A_480 : vector<16xf32>
                %min3A_487 = arith.minimumf %max3A_478, %max3A_480 : vector<16xf32>
                %max3A_488 = arith.maximumf %min3A_479, %min3A_481 : vector<16xf32>
                %min3A_489 = arith.minimumf %min3A_479, %min3A_481 : vector<16xf32>
                %max3A_490 = arith.maximumf %max3A_482, %max3A_484 : vector<16xf32>
                %min3A_491 = arith.minimumf %max3A_482, %max3A_484 : vector<16xf32>
                %max3A_492 = arith.maximumf %min3A_483, %min3A_485 : vector<16xf32>
                %min3A_493 = arith.minimumf %min3A_483, %min3A_485 : vector<16xf32>
                %masked_sort3A_494 = arith.constant dense<true> : vector<16xi1>
                %masked_sort3A_495, %masked_sort3A_496, %masked_sort3A_497 = tpu.sort %max3A_486, %max3A_486 masked %masked_sort3A_494 {descending = true} : (vector<16xf32>, vector<16xf32>, vector<16xi1>) -> (vector<16xi1>, vector<16xf32>, vector<16xf32>)
                %masked_sort3A_498 = arith.constant dense<true> : vector<16xi1>
                %masked_sort3A_499, %masked_sort3A_500, %masked_sort3A_501 = tpu.sort %min3A_487, %min3A_487 masked %masked_sort3A_498 {descending = true} : (vector<16xf32>, vector<16xf32>, vector<16xi1>) -> (vector<16xi1>, vector<16xf32>, vector<16xf32>)
                %masked_sort3A_502 = arith.constant dense<true> : vector<16xi1>
                %masked_sort3A_503, %masked_sort3A_504, %masked_sort3A_505 = tpu.sort %max3A_488, %max3A_488 masked %masked_sort3A_502 {descending = true} : (vector<16xf32>, vector<16xf32>, vector<16xi1>) -> (vector<16xi1>, vector<16xf32>, vector<16xf32>)
                %masked_sort3A_506 = arith.constant dense<true> : vector<16xi1>
                %masked_sort3A_507, %masked_sort3A_508, %masked_sort3A_509 = tpu.sort %min3A_489, %min3A_489 masked %masked_sort3A_506 {descending = true} : (vector<16xf32>, vector<16xf32>, vector<16xi1>) -> (vector<16xi1>, vector<16xf32>, vector<16xf32>)
                %masked_sort3A_510 = arith.constant dense<true> : vector<16xi1>
                %masked_sort3A_511, %masked_sort3A_512, %masked_sort3A_513 = tpu.sort %max3A_490, %max3A_490 masked %masked_sort3A_510 {descending = true} : (vector<16xf32>, vector<16xf32>, vector<16xi1>) -> (vector<16xi1>, vector<16xf32>, vector<16xf32>)
                %masked_sort3A_514 = arith.constant dense<true> : vector<16xi1>
                %masked_sort3A_515, %masked_sort3A_516, %masked_sort3A_517 = tpu.sort %min3A_491, %min3A_491 masked %masked_sort3A_514 {descending = true} : (vector<16xf32>, vector<16xf32>, vector<16xi1>) -> (vector<16xi1>, vector<16xf32>, vector<16xf32>)
                %masked_sort3A_518 = arith.constant dense<true> : vector<16xi1>
                %masked_sort3A_519, %masked_sort3A_520, %masked_sort3A_521 = tpu.sort %max3A_492, %max3A_492 masked %masked_sort3A_518 {descending = true} : (vector<16xf32>, vector<16xf32>, vector<16xi1>) -> (vector<16xi1>, vector<16xf32>, vector<16xf32>)
                %masked_sort3A_522 = arith.constant dense<true> : vector<16xi1>
                %masked_sort3A_523, %masked_sort3A_524, %masked_sort3A_525 = tpu.sort %min3A_493, %min3A_493 masked %masked_sort3A_522 {descending = true} : (vector<16xf32>, vector<16xf32>, vector<16xi1>) -> (vector<16xi1>, vector<16xf32>, vector<16xf32>)
                %add3A_526 = arith.constant 0 : i32
                %add3A_527 = arith.addi %add3A_254, %add3A_526 : i32
                %swap3A_528 = arith.index_cast %add3A_527 : i32 to index
                %swap3A_529 = tpu.vector_load %arg5[%swap3A_528] {strides = array<i32>} : memref<1152xf32, #tpu.memory_space<vmem>>, vector<16xf32>,
                tpu.vector_store %arg5[%swap3A_528], %masked_sort3A_496 {strides = array<i32>} : memref<1152xf32, #tpu.memory_space<vmem>>, vector<16xf32>,
                %add3A_530 = arith.constant 16 : i32
                %add3A_531 = arith.addi %add3A_254, %add3A_530 : i32
                %swap3A_532 = arith.index_cast %add3A_531 : i32 to index
                %swap3A_533 = tpu.vector_load %arg5[%swap3A_532] {strides = array<i32>} : memref<1152xf32, #tpu.memory_space<vmem>>, vector<16xf32>,
                tpu.vector_store %arg5[%swap3A_532], %masked_sort3A_500 {strides = array<i32>} : memref<1152xf32, #tpu.memory_space<vmem>>, vector<16xf32>,
                %add3A_534 = arith.constant 32 : i32
                %add3A_535 = arith.addi %add3A_254, %add3A_534 : i32
                %swap3A_536 = arith.index_cast %add3A_535 : i32 to index
                %swap3A_537 = tpu.vector_load %arg5[%swap3A_536] {strides = array<i32>} : memref<1152xf32, #tpu.memory_space<vmem>>, vector<16xf32>,
                tpu.vector_store %arg5[%swap3A_536], %masked_sort3A_504 {strides = array<i32>} : memref<1152xf32, #tpu.memory_space<vmem>>, vector<16xf32>,
                %add3A_538 = arith.constant 48 : i32
                %add3A_539 = arith.addi %add3A_254, %add3A_538 : i32
                %swap3A_540 = arith.index_cast %add3A_539 : i32 to index
                %swap3A_541 = tpu.vector_load %arg5[%swap3A_540] {strides = array<i32>} : memref<1152xf32, #tpu.memory_space<vmem>>, vector<16xf32>,
                tpu.vector_store %arg5[%swap3A_540], %masked_sort3A_508 {strides = array<i32>} : memref<1152xf32, #tpu.memory_space<vmem>>, vector<16xf32>,
                %add3A_542 = arith.constant 64 : i32
                %add3A_543 = arith.addi %add3A_254, %add3A_542 : i32
                %swap3A_544 = arith.index_cast %add3A_543 : i32 to index
                %swap3A_545 = tpu.vector_load %arg5[%swap3A_544] {strides = array<i32>} : memref<1152xf32, #tpu.memory_space<vmem>>, vector<16xf32>,
                tpu.vector_store %arg5[%swap3A_544], %masked_sort3A_512 {strides = array<i32>} : memref<1152xf32, #tpu.memory_space<vmem>>, vector<16xf32>,
                %add3A_546 = arith.constant 80 : i32
                %add3A_547 = arith.addi %add3A_254, %add3A_546 : i32
                %swap3A_548 = arith.index_cast %add3A_547 : i32 to index
                %swap3A_549 = tpu.vector_load %arg5[%swap3A_548] {strides = array<i32>} : memref<1152xf32, #tpu.memory_space<vmem>>, vector<16xf32>,
                tpu.vector_store %arg5[%swap3A_548], %masked_sort3A_516 {strides = array<i32>} : memref<1152xf32, #tpu.memory_space<vmem>>, vector<16xf32>,
                %add3A_550 = arith.constant 96 : i32
                %add3A_551 = arith.addi %add3A_254, %add3A_550 : i32
                %swap3A_552 = arith.index_cast %add3A_551 : i32 to index
                %swap3A_553 = tpu.vector_load %arg5[%swap3A_552] {strides = array<i32>} : memref<1152xf32, #tpu.memory_space<vmem>>, vector<16xf32>,
                tpu.vector_store %arg5[%swap3A_552], %masked_sort3A_520 {strides = array<i32>} : memref<1152xf32, #tpu.memory_space<vmem>>, vector<16xf32>,
                %add3A_554 = arith.constant 112 : i32
                %add3A_555 = arith.addi %add3A_254, %add3A_554 : i32
                %swap3A_556 = arith.index_cast %add3A_555 : i32 to index
                %swap3A_557 = tpu.vector_load %arg5[%swap3A_556] {strides = array<i32>} : memref<1152xf32, #tpu.memory_space<vmem>>, vector<16xf32>,
                tpu.vector_store %arg5[%swap3A_556], %masked_sort3A_524 {strides = array<i32>} : memref<1152xf32, #tpu.memory_space<vmem>>, vector<16xf32>,
              }
              %scan3A_172 = arith.constant 3 : i32
              %add3A_173 = arith.constant 0 : i32
              %add3A_174 = arith.addi %mul3A_154, %add3A_173 : i32
              %get3A_175 = arith.index_cast %add3A_174 : i32 to index
              %get3A_176 = tpu.vector_load %arg5[%get3A_175] {strides = array<i32>} : memref<1152xf32, #tpu.memory_space<vmem>>, vector<16xf32>,
              %add3A_177 = arith.constant 16 : i32
              %add3A_178 = arith.addi %mul3A_154, %add3A_177 : i32
              %get3A_179 = arith.index_cast %add3A_178 : i32 to index
              %get3A_180 = tpu.vector_load %arg5[%get3A_179] {strides = array<i32>} : memref<1152xf32, #tpu.memory_space<vmem>>, vector<16xf32>,
              %add3A_181 = arith.constant 32 : i32
              %add3A_182 = arith.addi %mul3A_154, %add3A_181 : i32
              %get3A_183 = arith.index_cast %add3A_182 : i32 to index
              %get3A_184 = tpu.vector_load %arg5[%get3A_183] {strides = array<i32>} : memref<1152xf32, #tpu.memory_space<vmem>>, vector<16xf32>,
              %add3A_185 = arith.constant 48 : i32
              %add3A_186 = arith.addi %mul3A_154, %add3A_185 : i32
              %get3A_187 = arith.index_cast %add3A_186 : i32 to index
              %get3A_188 = tpu.vector_load %arg5[%get3A_187] {strides = array<i32>} : memref<1152xf32, #tpu.memory_space<vmem>>, vector<16xf32>,
              %add3A_189 = arith.constant 64 : i32
              %add3A_190 = arith.addi %mul3A_154, %add3A_189 : i32
              %get3A_191 = arith.index_cast %add3A_190 : i32 to index
              %get3A_192 = tpu.vector_load %arg5[%get3A_191] {strides = array<i32>} : memref<1152xf32, #tpu.memory_space<vmem>>, vector<16xf32>,
              %add3A_193 = arith.constant 80 : i32
              %add3A_194 = arith.addi %mul3A_154, %add3A_193 : i32
              %get3A_195 = arith.index_cast %add3A_194 : i32 to index
              %get3A_196 = tpu.vector_load %arg5[%get3A_195] {strides = array<i32>} : memref<1152xf32, #tpu.memory_space<vmem>>, vector<16xf32>,
              %add3A_197 = arith.constant 96 : i32
              %add3A_198 = arith.addi %mul3A_154, %add3A_197 : i32
              %get3A_199 = arith.index_cast %add3A_198 : i32 to index
              %get3A_200 = tpu.vector_load %arg5[%get3A_199] {strides = array<i32>} : memref<1152xf32, #tpu.memory_space<vmem>>, vector<16xf32>,
              %add3A_201 = arith.constant 112 : i32
              %add3A_202 = arith.addi %mul3A_154, %add3A_201 : i32
              %get3A_203 = arith.index_cast %add3A_202 : i32 to index
              %get3A_204 = tpu.vector_load %arg5[%get3A_203] {strides = array<i32>} : memref<1152xf32, #tpu.memory_space<vmem>>, vector<16xf32>,
              %scan3A_205 = arith.constant 1 : i32
              %scan3A_206 = arith.constant 3 : i32
              %scan3A_207 = arith.addi %scan3A_205, %scan3A_206 : i32
              %scan3A_208 = arith.constant 1 : i32
              %scan3A_209:8 = scf.for %scan3A_251 = %scan3A_205 to %scan3A_207 step %scan3A_208 iter_args(%scan3A_252 = %get3A_176, %scan3A_253 = %get3A_180, %scan3A_254 = %get3A_184, %scan3A_255 = %get3A_188, %scan3A_256 = %get3A_192, %scan3A_257 = %get3A_196, %scan3A_258 = %get3A_200, %scan3A_259 = %get3A_204) -> (vector<16xf32>, vector<16xf32>, vector<16xf32>, vector<16xf32>, vector<16xf32>, vector<16xf32>, vector<16xf32>, vector<16xf32>)  : i32 {
                %mul3A_260 = arith.constant 128 : i32
                %mul3A_261 = arith.muli %scan3A_251, %mul3A_260 : i32
                %add3A_262 = arith.addi %mul3A_154, %mul3A_261 : i32
                %add3A_263 = arith.constant 0 : i32
                %add3A_264 = arith.addi %add3A_262, %add3A_263 : i32
                %get3A_265 = arith.index_cast %add3A_264 : i32 to index
                %get3A_266 = tpu.vector_load %arg5[%get3A_265] {strides = array<i32>} : memref<1152xf32, #tpu.memory_space<vmem>>, vector<16xf32>,
                %mul3A_267 = arith.constant 128 : i32
                %mul3A_268 = arith.muli %scan3A_251, %mul3A_267 : i32
                %add3A_269 = arith.addi %mul3A_154, %mul3A_268 : i32
                %add3A_270 = arith.constant 16 : i32
                %add3A_271 = arith.addi %add3A_269, %add3A_270 : i32
                %get3A_272 = arith.index_cast %add3A_271 : i32 to index
                %get3A_273 = tpu.vector_load %arg5[%get3A_272] {strides = array<i32>} : memref<1152xf32, #tpu.memory_space<vmem>>, vector<16xf32>,
                %mul3A_274 = arith.constant 128 : i32
                %mul3A_275 = arith.muli %scan3A_251, %mul3A_274 : i32
                %add3A_276 = arith.addi %mul3A_154, %mul3A_275 : i32
                %add3A_277 = arith.constant 32 : i32
                %add3A_278 = arith.addi %add3A_276, %add3A_277 : i32
                %get3A_279 = arith.index_cast %add3A_278 : i32 to index
                %get3A_280 = tpu.vector_load %arg5[%get3A_279] {strides = array<i32>} : memref<1152xf32, #tpu.memory_space<vmem>>, vector<16xf32>,
                %mul3A_281 = arith.constant 128 : i32
                %mul3A_282 = arith.muli %scan3A_251, %mul3A_281 : i32
                %add3A_283 = arith.addi %mul3A_154, %mul3A_282 : i32
                %add3A_284 = arith.constant 48 : i32
                %add3A_285 = arith.addi %add3A_283, %add3A_284 : i32
                %get3A_286 = arith.index_cast %add3A_285 : i32 to index
                %get3A_287 = tpu.vector_load %arg5[%get3A_286] {strides = array<i32>} : memref<1152xf32, #tpu.memory_space<vmem>>, vector<16xf32>,
                %mul3A_288 = arith.constant 128 : i32
                %mul3A_289 = arith.muli %scan3A_251, %mul3A_288 : i32
                %add3A_290 = arith.addi %mul3A_154, %mul3A_289 : i32
                %add3A_291 = arith.constant 64 : i32
                %add3A_292 = arith.addi %add3A_290, %add3A_291 : i32
                %get3A_293 = arith.index_cast %add3A_292 : i32 to index
                %get3A_294 = tpu.vector_load %arg5[%get3A_293] {strides = array<i32>} : memref<1152xf32, #tpu.memory_space<vmem>>, vector<16xf32>,
                %mul3A_295 = arith.constant 128 : i32
                %mul3A_296 = arith.muli %scan3A_251, %mul3A_295 : i32
                %add3A_297 = arith.addi %mul3A_154, %mul3A_296 : i32
                %add3A_298 = arith.constant 80 : i32
                %add3A_299 = arith.addi %add3A_297, %add3A_298 : i32
                %get3A_300 = arith.index_cast %add3A_299 : i32 to index
                %get3A_301 = tpu.vector_load %arg5[%get3A_300] {strides = array<i32>} : memref<1152xf32, #tpu.memory_space<vmem>>, vector<16xf32>,
                %mul3A_302 = arith.constant 128 : i32
                %mul3A_303 = arith.muli %scan3A_251, %mul3A_302 : i32
                %add3A_304 = arith.addi %mul3A_154, %mul3A_303 : i32
                %add3A_305 = arith.constant 96 : i32
                %add3A_306 = arith.addi %add3A_304, %add3A_305 : i32
                %get3A_307 = arith.index_cast %add3A_306 : i32 to index
                %get3A_308 = tpu.vector_load %arg5[%get3A_307] {strides = array<i32>} : memref<1152xf32, #tpu.memory_space<vmem>>, vector<16xf32>,
                %mul3A_309 = arith.constant 128 : i32
                %mul3A_310 = arith.muli %scan3A_251, %mul3A_309 : i32
                %add3A_311 = arith.addi %mul3A_154, %mul3A_310 : i32
                %add3A_312 = arith.constant 112 : i32
                %add3A_313 = arith.addi %add3A_311, %add3A_312 : i32
                %get3A_314 = arith.index_cast %add3A_313 : i32 to index
                %get3A_315 = tpu.vector_load %arg5[%get3A_314] {strides = array<i32>} : memref<1152xf32, #tpu.memory_space<vmem>>, vector<16xf32>,
                %rev3A = arith.constant 15 : i32
                %rev3A_316 = vector.broadcast %rev3A : i32 to vector<16xi32>
                %rev3A_317 = tpu.iota {dimensions = array<i32: 0>} : vector<16xi32>
                %rev3A_318 = arith.subi %rev3A_316, %rev3A_317 : vector<16xi32>
                %rev3A_319 = tpu.dynamic_gather %get3A_315[%rev3A_318] in [0] : vector<16xf32>, vector<16xi32> -> vector<16xf32>
                %max3A = arith.maximumf %scan3A_252, %rev3A_319 : vector<16xf32>
                %rev3A_320 = arith.constant 15 : i32
                %rev3A_321 = vector.broadcast %rev3A_320 : i32 to vector<16xi32>
                %rev3A_322 = tpu.iota {dimensions = array<i32: 0>} : vector<16xi32>
                %rev3A_323 = arith.subi %rev3A_321, %rev3A_322 : vector<16xi32>
                %rev3A_324 = tpu.dynamic_gather %get3A_308[%rev3A_323] in [0] : vector<16xf32>, vector<16xi32> -> vector<16xf32>
                %max3A_325 = arith.maximumf %scan3A_253, %rev3A_324 : vector<16xf32>
                %rev3A_326 = arith.constant 15 : i32
                %rev3A_327 = vector.broadcast %rev3A_326 : i32 to vector<16xi32>
                %rev3A_328 = tpu.iota {dimensions = array<i32: 0>} : vector<16xi32>
                %rev3A_329 = arith.subi %rev3A_327, %rev3A_328 : vector<16xi32>
                %rev3A_330 = tpu.dynamic_gather %get3A_301[%rev3A_329] in [0] : vector<16xf32>, vector<16xi32> -> vector<16xf32>
                %max3A_331 = arith.maximumf %scan3A_254, %rev3A_330 : vector<16xf32>
                %rev3A_332 = arith.constant 15 : i32
                %rev3A_333 = vector.broadcast %rev3A_332 : i32 to vector<16xi32>
                %rev3A_334 = tpu.iota {dimensions = array<i32: 0>} : vector<16xi32>
                %rev3A_335 = arith.subi %rev3A_333, %rev3A_334 : vector<16xi32>
                %rev3A_336 = tpu.dynamic_gather %get3A_294[%rev3A_335] in [0] : vector<16xf32>, vector<16xi32> -> vector<16xf32>
                %max3A_337 = arith.maximumf %scan3A_255, %rev3A_336 : vector<16xf32>
                %rev3A_338 = arith.constant 15 : i32
                %rev3A_339 = vector.broadcast %rev3A_338 : i32 to vector<16xi32>
                %rev3A_340 = tpu.iota {dimensions = array<i32: 0>} : vector<16xi32>
                %rev3A_341 = arith.subi %rev3A_339, %rev3A_340 : vector<16xi32>
                %rev3A_342 = tpu.dynamic_gather %get3A_287[%rev3A_341] in [0] : vector<16xf32>, vector<16xi32> -> vector<16xf32>
                %max3A_343 = arith.maximumf %scan3A_256, %rev3A_342 : vector<16xf32>
                %rev3A_344 = arith.constant 15 : i32
                %rev3A_345 = vector.broadcast %rev3A_344 : i32 to vector<16xi32>
                %rev3A_346 = tpu.iota {dimensions = array<i32: 0>} : vector<16xi32>
                %rev3A_347 = arith.subi %rev3A_345, %rev3A_346 : vector<16xi32>
                %rev3A_348 = tpu.dynamic_gather %get3A_280[%rev3A_347] in [0] : vector<16xf32>, vector<16xi32> -> vector<16xf32>
                %max3A_349 = arith.maximumf %scan3A_257, %rev3A_348 : vector<16xf32>
                %rev3A_350 = arith.constant 15 : i32
                %rev3A_351 = vector.broadcast %rev3A_350 : i32 to vector<16xi32>
                %rev3A_352 = tpu.iota {dimensions = array<i32: 0>} : vector<16xi32>
                %rev3A_353 = arith.subi %rev3A_351, %rev3A_352 : vector<16xi32>
                %rev3A_354 = tpu.dynamic_gather %get3A_273[%rev3A_353] in [0] : vector<16xf32>, vector<16xi32> -> vector<16xf32>
                %max3A_355 = arith.maximumf %scan3A_258, %rev3A_354 : vector<16xf32>
                %rev3A_356 = arith.constant 15 : i32
                %rev3A_357 = vector.broadcast %rev3A_356 : i32 to vector<16xi32>
                %rev3A_358 = tpu.iota {dimensions = array<i32: 0>} : vector<16xi32>
                %rev3A_359 = arith.subi %rev3A_357, %rev3A_358 : vector<16xi32>
                %rev3A_360 = tpu.dynamic_gather %get3A_266[%rev3A_359] in [0] : vector<16xf32>, vector<16xi32> -> vector<16xf32>
                %max3A_361 = arith.maximumf %scan3A_259, %rev3A_360 : vector<16xf32>
                %max3A_362 = arith.maximumf %max3A, %max3A_343 : vector<16xf32>
                %min3A = arith.minimumf %max3A, %max3A_343 : vector<16xf32>
                %max3A_363 = arith.maximumf %max3A_325, %max3A_349 : vector<16xf32>
                %min3A_364 = arith.minimumf %max3A_325, %max3A_349 : vector<16xf32>
                %max3A_365 = arith.maximumf %max3A_331, %max3A_355 : vector<16xf32>
                %min3A_366 = arith.minimumf %max3A_331, %max3A_355 : vector<16xf32>
                %max3A_367 = arith.maximumf %max3A_337, %max3A_361 : vector<16xf32>
                %min3A_368 = arith.minimumf %max3A_337, %max3A_361 : vector<16xf32>
                %max3A_369 = arith.maximumf %max3A_362, %max3A_365 : vector<16xf32>
                %min3A_370 = arith.minimumf %max3A_362, %max3A_365 : vector<16xf32>
                %max3A_371 = arith.maximumf %max3A_363, %max3A_367 : vector<16xf32>
                %min3A_372 = arith.minimumf %max3A_363, %max3A_367 : vector<16xf32>
                %max3A_373 = arith.maximumf %min3A, %min3A_366 : vector<16xf32>
                %min3A_374 = arith.minimumf %min3A, %min3A_366 : vector<16xf32>
                %max3A_375 = arith.maximumf %min3A_364, %min3A_368 : vector<16xf32>
                %min3A_376 = arith.minimumf %min3A_364, %min3A_368 : vector<16xf32>
                %max3A_377 = arith.maximumf %max3A_369, %max3A_371 : vector<16xf32>
                %min3A_378 = arith.minimumf %max3A_369, %max3A_371 : vector<16xf32>
                %max3A_379 = arith.maximumf %min3A_370, %min3A_372 : vector<16xf32>
                %min3A_380 = arith.minimumf %min3A_370, %min3A_372 : vector<16xf32>
                %max3A_381 = arith.maximumf %max3A_373, %max3A_375 : vector<16xf32>
                %min3A_382 = arith.minimumf %max3A_373, %max3A_375 : vector<16xf32>
                %max3A_383 = arith.maximumf %min3A_374, %min3A_376 : vector<16xf32>
                %min3A_384 = arith.minimumf %min3A_374, %min3A_376 : vector<16xf32>
                %masked_sort3A = arith.constant dense<true> : vector<16xi1>
                %masked_sort3A_385, %masked_sort3A_386, %masked_sort3A_387 = tpu.sort %max3A_377, %max3A_377 masked %masked_sort3A {descending = true} : (vector<16xf32>, vector<16xf32>, vector<16xi1>) -> (vector<16xi1>, vector<16xf32>, vector<16xf32>)
                %masked_sort3A_388 = arith.constant dense<true> : vector<16xi1>
                %masked_sort3A_389, %masked_sort3A_390, %masked_sort3A_391 = tpu.sort %min3A_378, %min3A_378 masked %masked_sort3A_388 {descending = true} : (vector<16xf32>, vector<16xf32>, vector<16xi1>) -> (vector<16xi1>, vector<16xf32>, vector<16xf32>)
                %masked_sort3A_392 = arith.constant dense<true> : vector<16xi1>
                %masked_sort3A_393, %masked_sort3A_394, %masked_sort3A_395 = tpu.sort %max3A_379, %max3A_379 masked %masked_sort3A_392 {descending = true} : (vector<16xf32>, vector<16xf32>, vector<16xi1>) -> (vector<16xi1>, vector<16xf32>, vector<16xf32>)
                %masked_sort3A_396 = arith.constant dense<true> : vector<16xi1>
                %masked_sort3A_397, %masked_sort3A_398, %masked_sort3A_399 = tpu.sort %min3A_380, %min3A_380 masked %masked_sort3A_396 {descending = true} : (vector<16xf32>, vector<16xf32>, vector<16xi1>) -> (vector<16xi1>, vector<16xf32>, vector<16xf32>)
                %masked_sort3A_400 = arith.constant dense<true> : vector<16xi1>
                %masked_sort3A_401, %masked_sort3A_402, %masked_sort3A_403 = tpu.sort %max3A_381, %max3A_381 masked %masked_sort3A_400 {descending = true} : (vector<16xf32>, vector<16xf32>, vector<16xi1>) -> (vector<16xi1>, vector<16xf32>, vector<16xf32>)
                %masked_sort3A_404 = arith.constant dense<true> : vector<16xi1>
                %masked_sort3A_405, %masked_sort3A_406, %masked_sort3A_407 = tpu.sort %min3A_382, %min3A_382 masked %masked_sort3A_404 {descending = true} : (vector<16xf32>, vector<16xf32>, vector<16xi1>) -> (vector<16xi1>, vector<16xf32>, vector<16xf32>)
                %masked_sort3A_408 = arith.constant dense<true> : vector<16xi1>
                %masked_sort3A_409, %masked_sort3A_410, %masked_sort3A_411 = tpu.sort %max3A_383, %max3A_383 masked %masked_sort3A_408 {descending = true} : (vector<16xf32>, vector<16xf32>, vector<16xi1>) -> (vector<16xi1>, vector<16xf32>, vector<16xf32>)
                %masked_sort3A_412 = arith.constant dense<true> : vector<16xi1>
                %masked_sort3A_413, %masked_sort3A_414, %masked_sort3A_415 = tpu.sort %min3A_384, %min3A_384 masked %masked_sort3A_412 {descending = true} : (vector<16xf32>, vector<16xf32>, vector<16xi1>) -> (vector<16xi1>, vector<16xf32>, vector<16xf32>)
                scf.yield %masked_sort3A_386, %masked_sort3A_390, %masked_sort3A_394, %masked_sort3A_398, %masked_sort3A_402, %masked_sort3A_406, %masked_sort3A_410, %masked_sort3A_414 : vector<16xf32>, vector<16xf32>, vector<16xf32>, vector<16xf32>, vector<16xf32>, vector<16xf32>, vector<16xf32>, vector<16xf32>
              }
              %scan3A_210 = arith.constant 3 : i32
              %add3A_211 = arith.constant 0 : i32
              %add3A_212 = arith.addi %mul3A_154, %add3A_211 : i32
              %swap3A_213 = arith.index_cast %add3A_212 : i32 to index
              %swap3A_214 = tpu.vector_load %arg5[%swap3A_213] {strides = array<i32>} : memref<1152xf32, #tpu.memory_space<vmem>>, vector<16xf32>,
              tpu.vector_store %arg5[%swap3A_213], %scan3A_209#0 {strides = array<i32>} : memref<1152xf32, #tpu.memory_space<vmem>>, vector<16xf32>,
              %add3A_215 = arith.constant 16 : i32
              %add3A_216 = arith.addi %mul3A_154, %add3A_215 : i32
              %swap3A_217 = arith.index_cast %add3A_216 : i32 to index
              %swap3A_218 = tpu.vector_load %arg5[%swap3A_217] {strides = array<i32>} : memref<1152xf32, #tpu.memory_space<vmem>>, vector<16xf32>,
              tpu.vector_store %arg5[%swap3A_217], %scan3A_209#1 {strides = array<i32>} : memref<1152xf32, #tpu.memory_space<vmem>>, vector<16xf32>,
              %add3A_219 = arith.constant 32 : i32
              %add3A_220 = arith.addi %mul3A_154, %add3A_219 : i32
              %swap3A_221 = arith.index_cast %add3A_220 : i32 to index
              %swap3A_222 = tpu.vector_load %arg5[%swap3A_221] {strides = array<i32>} : memref<1152xf32, #tpu.memory_space<vmem>>, vector<16xf32>,
              tpu.vector_store %arg5[%swap3A_221], %scan3A_209#2 {strides = array<i32>} : memref<1152xf32, #tpu.memory_space<vmem>>, vector<16xf32>,
              %add3A_223 = arith.constant 48 : i32
              %add3A_224 = arith.addi %mul3A_154, %add3A_223 : i32
              %swap3A_225 = arith.index_cast %add3A_224 : i32 to index
              %swap3A_226 = tpu.vector_load %arg5[%swap3A_225] {strides = array<i32>} : memref<1152xf32, #tpu.memory_space<vmem>>, vector<16xf32>,
              tpu.vector_store %arg5[%swap3A_225], %scan3A_209#3 {strides = array<i32>} : memref<1152xf32, #tpu.memory_space<vmem>>, vector<16xf32>,
              %add3A_227 = arith.constant 64 : i32
              %add3A_228 = arith.addi %mul3A_154, %add3A_227 : i32
              %swap3A_229 = arith.index_cast %add3A_228 : i32 to index
              %swap3A_230 = tpu.vector_load %arg5[%swap3A_229] {strides = array<i32>} : memref<1152xf32, #tpu.memory_space<vmem>>, vector<16xf32>,
              tpu.vector_store %arg5[%swap3A_229], %scan3A_209#4 {strides = array<i32>} : memref<1152xf32, #tpu.memory_space<vmem>>, vector<16xf32>,
              %add3A_231 = arith.constant 80 : i32
              %add3A_232 = arith.addi %mul3A_154, %add3A_231 : i32
              %swap3A_233 = arith.index_cast %add3A_232 : i32 to index
              %swap3A_234 = tpu.vector_load %arg5[%swap3A_233] {strides = array<i32>} : memref<1152xf32, #tpu.memory_space<vmem>>, vector<16xf32>,
              tpu.vector_store %arg5[%swap3A_233], %scan3A_209#5 {strides = array<i32>} : memref<1152xf32, #tpu.memory_space<vmem>>, vector<16xf32>,
              %add3A_235 = arith.constant 96 : i32
              %add3A_236 = arith.addi %mul3A_154, %add3A_235 : i32
              %swap3A_237 = arith.index_cast %add3A_236 : i32 to index
              %swap3A_238 = tpu.vector_load %arg5[%swap3A_237] {strides = array<i32>} : memref<1152xf32, #tpu.memory_space<vmem>>, vector<16xf32>,
              tpu.vector_store %arg5[%swap3A_237], %scan3A_209#6 {strides = array<i32>} : memref<1152xf32, #tpu.memory_space<vmem>>, vector<16xf32>,
              %add3A_239 = arith.constant 112 : i32
              %add3A_240 = arith.addi %mul3A_154, %add3A_239 : i32
              %swap3A_241 = arith.index_cast %add3A_240 : i32 to index
              %swap3A_242 = tpu.vector_load %arg5[%swap3A_241] {strides = array<i32>} : memref<1152xf32, #tpu.memory_space<vmem>>, vector<16xf32>,
              tpu.vector_store %arg5[%swap3A_241], %scan3A_209#7 {strides = array<i32>} : memref<1152xf32, #tpu.memory_space<vmem>>, vector<16xf32>,
              %reduce_min3A = arith.constant true
              %reduce_min3A_243 = vector.broadcast %reduce_min3A : i1 to vector<16xi1>
              %reduce_min3A_244 = tpu.scan <min>, %scan3A_209#7 masked %reduce_min3A_243 : vector<16xf32>, vector<16xi1> -> vector<16xf32>
              %reduce_min3A_245 = vector.extract %reduce_min3A_244[15] : f32 from vector<16xf32>
              %swap3A_246 = arith.index_cast %scan3A_152 : i32 to index
              %swap3A_247 = memref.load %arg7[%swap3A_246] : memref<2xf32, #tpu.memory_space<smem>>
              memref.store %reduce_min3A_245, %arg7[%swap3A_246] : memref<2xf32, #tpu.memory_space<smem>>
              %swap3A_248 = arith.constant 128 : i32
              %swap3A_249 = arith.index_cast %scan3A_152 : i32 to index
              %swap3A_250 = memref.load %arg6[%swap3A_249] : memref<2xi32, #tpu.memory_space<smem>>
              memref.store %swap3A_248, %arg6[%swap3A_249] : memref<2xi32, #tpu.memory_space<smem>>
            } else {
            }
          }
          %scan3A_151 = arith.constant 2 : i32
        } else {
        }
        %lt3A_141 = arith.constant 64 : i32
        %lt3A_142 = arith.cmpi slt, %scan3A_128, %lt3A_141 : i32
        %convert_element_type3A_143 = arith.extui %lt3A_142 : i1 to i32
        %cond3A_144 = arith.constant 0 : i32
        %cond3A_145 = arith.cmpi ne, %convert_element_type3A_143, %cond3A_144 : i32
        scf.if %cond3A_145 {
          %get3A_146 = arith.constant 0 : i32
          %get3A_147 = arith.index_cast %get3A_146 : i32 to index
          %get3A_148 = memref.load %arg7[%get3A_147] : memref<2xf32, #tpu.memory_space<smem>>
          %get3A_149 = arith.constant 1 : i32
          %get3A_150 = arith.index_cast %get3A_149 : i32 to index
          %get3A_151 = memref.load %arg7[%get3A_150] : memref<2xf32, #tpu.memory_space<smem>>
          %mul3A_152 = arith.constant 256 : i32
          %mul3A_153 = arith.muli %scan3A_128, %mul3A_152 : i32
          %get3A_154 = arith.constant 0 : i32
          %get3A_155 = arith.index_cast %get3A_154 : i32 to index
          %get3A_156 = memref.load %arg6[%get3A_155] : memref<2xi32, #tpu.memory_space<smem>>
          %get3A_157 = arith.constant 1 : i32
          %get3A_158 = arith.index_cast %get3A_157 : i32 to index
          %get3A_159 = memref.load %arg6[%get3A_158] : memref<2xi32, #tpu.memory_space<smem>>
          %parallel_loop3A = arith.constant 0 : i32
          %parallel_loop3A_160 = arith.constant 8 : i32
          %parallel_loop3A_161 = arith.constant 1 : i32
          %parallel_loop3A_162:2 = scf.for %parallel_loop3A_169 = %parallel_loop3A to %parallel_loop3A_160 step %parallel_loop3A_161 iter_args(%parallel_loop3A_170 = %get3A_156, %parallel_loop3A_171 = %get3A_159) -> (i32, i32)  : i32 {
            %parallel_loop3A_172 = arith.addi %mul3A_46, %mul3A_153 : i32
            %parallel_loop3A_173 = arith.constant 16 : i32
            %parallel_loop3A_174 = arith.muli %parallel_loop3A_169, %parallel_loop3A_173 : i32
            %parallel_loop3A_175 = arith.addi %parallel_loop3A_172, %parallel_loop3A_174 : i32
            %parallel_loop3A_176 = arith.index_cast %parallel_loop3A_175 : i32 to index
            %parallel_loop3A_177 = tpu.vector_load %arg4[%parallel_loop3A_176] {strides = array<i32>} : memref<32768xf32, #tpu.memory_space<vmem>>, vector<16xf32>,
            %parallel_loop3A_178 = arith.addi %mul3A_46, %mul3A_153 : i32
            %parallel_loop3A_179 = arith.constant 128 : i32
            %parallel_loop3A_180 = arith.addi %parallel_loop3A_178, %parallel_loop3A_179 : i32
            %parallel_loop3A_181 = arith.constant 16 : i32
            %parallel_loop3A_182 = arith.muli %parallel_loop3A_169, %parallel_loop3A_181 : i32
            %parallel_loop3A_183 = arith.addi %parallel_loop3A_180, %parallel_loop3A_182 : i32
            %parallel_loop3A_184 = arith.index_cast %parallel_loop3A_183 : i32 to index
            %parallel_loop3A_185 = tpu.vector_load %arg4[%parallel_loop3A_184] {strides = array<i32>} : memref<32768xf32, #tpu.memory_space<vmem>>, vector<16xf32>,
            %parallel_loop3A_186 = vector.broadcast %get3A_148 : f32 to vector<16xf32>
            %parallel_loop3A_187 = arith.cmpf ogt, %parallel_loop3A_177, %parallel_loop3A_186 : vector<16xf32>
            %parallel_loop3A_188 = vector.broadcast %get3A_151 : f32 to vector<16xf32>
            %parallel_loop3A_189 = arith.cmpf ogt, %parallel_loop3A_185, %parallel_loop3A_188 : vector<16xf32>
            %parallel_loop3A_190 = arith.index_cast %parallel_loop3A_170 : i32 to index
            %parallel_loop3A_191 = tpu.vector_load %arg5[%parallel_loop3A_190] masked %parallel_loop3A_187 {strides = array<i32>} : memref<1152xf32, #tpu.memory_space<vmem>>, vector<16xf32>, vector<16xi1>
            tpu.vector_store %arg5[%parallel_loop3A_190], %parallel_loop3A_177 masked %parallel_loop3A_187 {strides = array<i32>} : memref<1152xf32, #tpu.memory_space<vmem>>, vector<16xf32>, vector<16xi1>
            %parallel_loop3A_192 = arith.constant 576 : i32
            %parallel_loop3A_193 = arith.addi %parallel_loop3A_192, %parallel_loop3A_171 : i32
            %parallel_loop3A_194 = arith.index_cast %parallel_loop3A_193 : i32 to index
            %parallel_loop3A_195 = tpu.vector_load %arg5[%parallel_loop3A_194] masked %parallel_loop3A_189 {strides = array<i32>} : memref<1152xf32, #tpu.memory_space<vmem>>, vector<16xf32>, vector<16xi1>
            tpu.vector_store %arg5[%parallel_loop3A_194], %parallel_loop3A_185 masked %parallel_loop3A_189 {strides = array<i32>} : memref<1152xf32, #tpu.memory_space<vmem>>, vector<16xf32>, vector<16xi1>
            %parallel_loop3A_196 = tpu.all_reduce %parallel_loop3A_187 {dim = 0 : i64, kind = #tpu.reduction_kind<sum>} : vector<16xi1> -> vector<16xi32>
            %parallel_loop3A_197 = vector.extract_strided_slice %parallel_loop3A_196 {offsets = [0], sizes = [1], strides = [1]} : vector<16xi32> to vector<1xi32>
            %parallel_loop3A_198 = vector.extract %parallel_loop3A_197[0] : i32 from vector<1xi32>
            %parallel_loop3A_199 = arith.addi %parallel_loop3A_170, %parallel_loop3A_198 : i32
            %parallel_loop3A_200 = tpu.all_reduce %parallel_loop3A_189 {dim = 0 : i64, kind = #tpu.reduction_kind<sum>} : vector<16xi1> -> vector<16xi32>
            %parallel_loop3A_201 = vector.extract_strided_slice %parallel_loop3A_200 {offsets = [0], sizes = [1], strides = [1]} : vector<16xi32> to vector<1xi32>
            %parallel_loop3A_202 = vector.extract %parallel_loop3A_201[0] : i32 from vector<1xi32>
            %parallel_loop3A_203 = arith.addi %parallel_loop3A_171, %parallel_loop3A_202 : i32
            scf.yield %parallel_loop3A_199, %parallel_loop3A_203 : i32, i32
          } {sc.loop_unroll_factor = 8 : i64, sc.parallel_access}
          %swap3A_163 = arith.constant 0 : i32
          %swap3A_164 = arith.index_cast %swap3A_163 : i32 to index
          %swap3A_165 = memref.load %arg6[%swap3A_164] : memref<2xi32, #tpu.memory_space<smem>>
          memref.store %parallel_loop3A_162#0, %arg6[%swap3A_164] : memref<2xi32, #tpu.memory_space<smem>>
          %swap3A_166 = arith.constant 1 : i32
          %swap3A_167 = arith.index_cast %swap3A_166 : i32 to index
          %swap3A_168 = memref.load %arg6[%swap3A_167] : memref<2xi32, #tpu.memory_space<smem>>
          memref.store %parallel_loop3A_162#1, %arg6[%swap3A_167] : memref<2xi32, #tpu.memory_space<smem>>
        } else {
        }
      }
      %scan3A_86 = arith.constant 65 : i32
      %jit3A = arith.constant 8 : i32
      %div3A = arith.divsi %add3A_42, %jit3A : i32
      %sign3A = arith.constant 0 : i32
      %sign3A_87 = arith.cmpi sgt, %add3A_42, %sign3A : i32
      %sign3A_88 = arith.extui %sign3A_87 : i1 to i32
      %sign3A_89 = arith.constant 0 : i32
      %sign3A_90 = arith.cmpi slt, %add3A_42, %sign3A_89 : i32
      %sign3A_91 = arith.extui %sign3A_90 : i1 to i32
      %sign3A_92 = arith.subi %sign3A_88, %sign3A_91 : i32
      %sign3A_93 = arith.constant 0 : i32
      %sign3A_94 = arith.cmpi sgt, %jit3A, %sign3A_93 : i32
      %sign3A_95 = arith.extui %sign3A_94 : i1 to i32
      %sign3A_96 = arith.constant 0 : i32
      %sign3A_97 = arith.cmpi slt, %jit3A, %sign3A_96 : i32
      %sign3A_98 = arith.extui %sign3A_97 : i1 to i32
      %sign3A_99 = arith.subi %sign3A_95, %sign3A_98 : i32
      %ne3A = arith.cmpi ne, %sign3A_92, %sign3A_99 : i32
      %rem3A = arith.remsi %add3A_42, %jit3A : i32
      %ne3A_100 = arith.constant 0 : i32
      %ne3A_101 = arith.cmpi ne, %rem3A, %ne3A_100 : i32
      %and3A = arith.andi %ne3A, %ne3A_101 : i1
      %sub3A = arith.constant 1 : i32
      %sub3A_102 = arith.subi %div3A, %sub3A : i32
      %select_n3A = arith.select %and3A, %sub3A_102, %div3A : i32
      %mul3A_103 = arith.constant 2048 : i32
      %mul3A_104 = arith.muli %select_n3A, %mul3A_103 : i32
      %jit3A_105 = arith.constant 8 : i32
      %eq3A = arith.constant 0 : i32
      %eq3A_106 = arith.cmpi eq, %jit3A_105, %eq3A : i32
      %jit3A_107 = arith.constant 1 : i32
      %select_n3A_108 = arith.select %eq3A_106, %jit3A_107, %jit3A_105 : i32
      %rem3A_109 = arith.remsi %add3A_42, %select_n3A_108 : i32
      %ne3A_110 = arith.constant 0 : i32
      %ne3A_111 = arith.cmpi ne, %rem3A_109, %ne3A_110 : i32
      %lt3A = arith.constant 0 : i32
      %lt3A_112 = arith.cmpi slt, %rem3A_109, %lt3A : i32
      %lt3A_113 = arith.constant 0 : i32
      %lt3A_114 = arith.cmpi slt, %select_n3A_108, %lt3A_113 : i32
      %ne3A_115 = arith.xori %lt3A_112, %lt3A_114 : i1
      %and3A_116 = arith.andi %ne3A_115, %ne3A_111 : i1
      %add3A_117 = arith.addi %rem3A_109, %select_n3A_108 : i32
      %select_n3A_118 = arith.select %and3A_116, %add3A_117, %rem3A_109 : i32
      %mul3A_119 = arith.constant 128 : i32
      %mul3A_120 = arith.muli %select_n3A_118, %mul3A_119 : i32
      %add3A_121 = arith.addi %mul3A_104, %mul3A_120 : i32
      %scan3A_122 = arith.constant 0 : i32
      %scan3A_123 = arith.constant 0 : i32
      %scan3A_124 = arith.constant 2 : i32
      %scan3A_125 = arith.addi %scan3A_123, %scan3A_124 : i32
      %scan3A_126 = arith.constant 1 : i32
      scf.for %scan3A_128 = %scan3A_123 to %scan3A_125 step %scan3A_126  : i32 {
        %mul3A_129 = arith.constant 576 : i32
        %mul3A_130 = arith.muli %scan3A_128, %mul3A_129 : i32
        %mul3A_131 = arith.constant 1024 : i32
        %mul3A_132 = arith.muli %scan3A_128, %mul3A_131 : i32
        %add3A_133 = arith.addi %add3A_121, %mul3A_132 : i32
        "tpu.region"() ({
          %run_scoped3A = tpu.sem_alloc : memref<!tpu.dma_semaphore, #tpu.memory_space<semaphore_mem>>
          %dma_start3A_134 = tpu.memref_slice %arg5[%mul3A_130] : memref<1152xf32, #tpu.memory_space<vmem>> -> memref<128xf32, #tpu.memory_space<vmem>>
          %dma_start3A_135 = tpu.memref_slice %arg3[%add3A_133] : memref<16384xf32, #tpu.memory_space<hbm>> -> memref<128xf32, #tpu.memory_space<hbm>>
          %dma_start3A_136 = tpu.memref_slice %arg3[%add3A_133] : memref<16384xf32, #tpu.memory_space<hbm>> -> memref<128xf32, #tpu.memory_space<hbm>>
          %dma_start3A_137 = tpu.memref_slice %arg5[%mul3A_130] : memref<1152xf32, #tpu.memory_space<vmem>> -> memref<128xf32, #tpu.memory_space<vmem>>
          tpu.enqueue_dma source(%dma_start3A_137 : memref<128xf32, #tpu.memory_space<vmem>>) target(%dma_start3A_136 : memref<128xf32, #tpu.memory_space<hbm>>) target_semaphore(%run_scoped3A : memref<!tpu.dma_semaphore, #tpu.memory_space<semaphore_mem>>)
          %dma_wait3A_138 = tpu.memref_slice %arg5[%mul3A_130] : memref<1152xf32, #tpu.memory_space<vmem>> -> memref<128xf32, #tpu.memory_space<vmem>>
          %dma_wait3A_139 = tpu.memref_slice %arg3[%add3A_133] : memref<16384xf32, #tpu.memory_space<hbm>> -> memref<128xf32, #tpu.memory_space<hbm>>
          %dma_wait3A_140 = tpu.memref_slice %arg3[%add3A_133] : memref<16384xf32, #tpu.memory_space<hbm>> -> memref<128xf32, #tpu.memory_space<hbm>>
          %dma_wait3A_141 = tpu.memref_slice %arg5[%mul3A_130] : memref<1152xf32, #tpu.memory_space<vmem>> -> memref<128xf32, #tpu.memory_space<vmem>>
          tpu.wait_dma2 semaphore(%run_scoped3A : memref<!tpu.dma_semaphore, #tpu.memory_space<semaphore_mem>>) src(%dma_wait3A_141 : memref<128xf32, #tpu.memory_space<vmem>>) dst(%dma_wait3A_140 : memref<128xf32, #tpu.memory_space<hbm>>)
          tpu.yield
        }) : () -> ()
      }
      %scan3A_127 = arith.constant 2 : i32
    }
    %scan3A_38 = arith.constant 2 : i32
    return
  }
}

</mosaic_0001>

<sc_bundles>
// kernel: kernel.3.cloned.1.call-start
scs
__scs_entry_jumppad:
0x0: {  	(pc) =	sbr.rel $0x88, $3  }
0x1: {  	(tag) =	ssettag $0x0;
	lr =	simm.s32 $0x1  }
0x2: {  	[smem:$0x3FA0] =	sst lr;
	_ =	strace $0xD0000000  }
0x3: {  	_ = 	snop  }
0x4: {  	_ = 	snop  }
0x5: {  	_ = 	snop  }
0x6: {  	_ = 	snop  }
0x7: {  	_ = 	snop  }
__scs_overlays_trampoline_lowered:
0x8: {  	[smem:$0x3FAF] =	sst s0  }
0x9: {  	[smem:$0x3FB0] =	sst s1  }
0xa: {  	[smem:$0x3FB1] =	sst s2  }
0xb: {  	[smem:$0x3FB2] =	sst s3  }
0xc: {  	[smem:$0x3FB3] =	sst s4  }
0xd: {  	[smem:$0x3FB4] =	sst s5  }
0xe: {  	[smem:$0x3FB5] =	sst s6  }
0xf: {  	[smem:$0x3FB6] =	sst s7  }
0x10: {  	[smem:$0x3FB7] =	sst s8  }
0x11: {  	[smem:$0x3FB8] =	sst s9;
	s0 =	simm.s32 @!p0 $0x0  }
0x12: {  	s1 =	sld [smem:$0x3F9E];
	s0 =	simm.s32 @p0 $0x1  }
0x13: {  	[smem:$0x3FB9] =	sst s0;
	s0 =	simm.s32 @!p1 $0x0  }
0x14: {  	s2 =	sld [smem:$0x3F9D];
	s0 =	simm.s32 @p1 $0x1  }
0x15: {  	[smem:$0x3FBA] =	sst s0;
	s0 =	simm.s32 @!p2 $0x0  }
0x16: {  	s3 =	sld [smem:$0x3FDB];
	s0 =	simm.s32 @p2 $0x1  }
0x17: {  	s4 =	simm.s32 $0x1BF5;
	[smem:$0x3FBC] =	sst s0  }
0x18: {  	s0 =	sld [smem:$0x3F9F];
	_ =	swait.ge [sflag:s4], $0x0  }
0x19: {  	s7 =	sld [smem:$0x3FA0]  }
0x1a: {  	s8 =	sadd.s32 $0xFFFFE003, lr  }
0x1b: {  	s9 =	sadd.s32 $0xFFFFFEF7, lr;
	s5 =	simm.s32 $0xFFFFFFFF;
	p2 =	slt.u32 s8, $0xFFFFF086  }
0x1c: {  	p1 =	slt.u32 s9, $0xF7A;
	s5 =	simm.s32 @!p2 $0x0  }
0x1d: {  	s5 =	simm.s32 @p1 $0x1;
	p0 =	seq.s32 s7, s2  }
0x1e: {  	s7 =	smul.u32 @!p0 $0xF7A, s2;
	p2 =	seq.s32 @!p0 s5, $0x0  }
0x1f: {  	s9 =	smul.u32 $0xF7A, s1;
	s8 =	simm.s32 @!p0 $0x1BF5;
	p2 =	por !p2, p0  }
0x20: {  	[sflag:s8] =	ssyncset.s32 @!p0 $0xFFFFF086;
	s6 =	sadd.s32 @!p0 s3, s7;
	s7 =	simm.s32 @!p0 $0x108  }
0x21: {  	s3 =	sadd.s32 s3, s9;
	s6 =	sadd.s32 @!p0 $0x88, s6;
	s7 =	simm.s32 @p2 $0x1082  }
0x22: {  	[simem:s7], [sflag:s8] =	dma.local @!p0 [hbm:s6], $0xF7A  }
0x23: {  	s9 =	sor.u32 $0xD0000000, s2;
	s6 =	simm.s32 $0x108;
	_ =	swait.ge @!p0 [sflag:s8], $0x0  }
0x24: {  	s3 =	sadd.s32 $0x88, s3;
	s6 =	simm.s32 @!p1 $0x1082;
	[sflag:s4] =	ssyncset.s32 $0xFFFFF086  }
0x25: {  	[simem:s6], [sflag:s4] =	dma.local [hbm:s3], $0xF7A  }
0x26: {  	[smem:$0x3FA0] =	sst s1;
	(tag) =	ssettag s2;
	_ =	strace s9  }
0x27: {  	s1 =	sld [smem:$0x3FB0]  }
0x28: {  	s2 =	sld [smem:$0x3FB1]  }
0x29: {  	s4 =	sld [smem:$0x3FB3]  }
0x2a: {  	p0 =	seq.s32 s5, $0x0;
	s5 =	sld [smem:$0x3FB4]  }
0x2b: {  	s6 =	sld [smem:$0x3FB5]  }
0x2c: {  	s7 =	sld [smem:$0x3FB6]  }
0x2d: {  	s3 =	simm.s32 $0x108;
	s8 =	sld [smem:$0x3FB7]  }
0x2e: {  	s3 =	simm.s32 @!p0 $0x1082;
	s9 =	sld [smem:$0x3FB8]  }
0x2f: {  	lr =	sadd.s32 s0, s3;
	s0 =	sld [smem:$0x3FAF]  }
0x30: {  	s3 =	sld [smem:$0x3FB2]  }
0x31: {  	[smem:$0x3FBB] =	sst s10  }
0x32: {  	s10 =	sld [smem:$0x3FB9];
	_ =	sdelay $0x3  }
0x33: {  	p0 =	seq.s32 s10, $0x1;
	s10 =	sld [smem:$0x3FBB];
	_ =	sdelay $0x3  }
0x34: {  	[smem:$0x3FBB] =	sst s10  }
0x35: {  	s10 =	sld [smem:$0x3FBA];
	_ =	sdelay $0x3  }
0x36: {  	p1 =	seq.s32 s10, $0x1;
	s10 =	sld [smem:$0x3FBB];
	_ =	sdelay $0x3  }
0x37: {  	[smem:$0x3FBB] =	sst s10  }
0x38: {  	s10 =	sld [smem:$0x3FBC]  }
0x39: {  	_ = 	snop;
	(pc) =	sbr.ind lr, $3  }
0x3a: {  	_ = 	snop  }
0x3b: {  	_ = 	snop  }
0x3c: {  	p2 =	seq.s32 s10, $0x1;
	s10 =	sld [smem:$0x3FBB]  }
0x3d: {  	_ =	shalt  }
0x3e: {  	_ =	shalt  }
0x3f: {  	_ =	shalt  }
0x40: {  	_ =	shalt  }
0x41: {  	_ =	shalt  }
0x42: {  	_ =	shalt  }
0x43: {  	_ =	shalt  }
0x44: {  	_ =	shalt  }
0x45: {  	_ =	shalt  }
0x46: {  	_ =	shalt  }
0x47: {  	_ =	shalt  }
0x48: {  	_ =	shalt  }
0x49: {  	_ =	shalt  }
0x4a: {  	_ =	shalt  }
0x4b: {  	_ =	shalt  }
0x4c: {  	_ =	shalt  }
0x4d: {  	_ =	shalt  }
0x4e: {  	_ =	shalt  }
0x4f: {  	_ =	shalt  }
0x50: {  	_ =	shalt  }
0x51: {  	_ =	shalt  }
0x52: {  	_ =	shalt  }
0x53: {  	_ =	shalt  }
0x54: {  	_ =	shalt  }
0x55: {  	_ =	shalt  }
0x56: {  	_ =	shalt  }
0x57: {  	_ =	shalt  }
0x58: {  	_ =	shalt  }
0x59: {  	_ =	shalt  }
0x5a: {  	_ =	shalt  }
0x5b: {  	_ =	shalt  }
0x5c: {  	_ =	shalt  }
0x5d: {  	_ =	shalt  }
0x5e: {  	_ =	shalt  }
0x5f: {  	_ =	shalt  }
0x60: {  	_ =	shalt  }
0x61: {  	_ =	shalt  }
0x62: {  	_ =	shalt  }
0x63: {  	_ =	shalt  }
0x64: {  	_ =	shalt  }
0x65: {  	_ =	shalt  }
0x66: {  	_ =	shalt  }
0x67: {  	_ =	shalt  }
0x68: {  	_ =	shalt  }
0x69: {  	_ =	shalt  }
0x6a: {  	_ =	shalt  }
0x6b: {  	_ =	shalt  }
0x6c: {  	_ =	shalt  }
0x6d: {  	_ =	shalt  }
0x6e: {  	_ =	shalt  }
0x6f: {  	_ =	shalt  }
0x70: {  	_ =	shalt  }
0x71: {  	_ =	shalt  }
0x72: {  	_ =	shalt  }
0x73: {  	_ =	shalt  }
0x74: {  	_ =	shalt  }
0x75: {  	_ =	shalt  }
0x76: {  	_ =	shalt  }
0x77: {  	_ =	shalt  }
0x78: {  	_ =	shalt  }
0x79: {  	_ =	shalt  }
0x7a: {  	_ =	shalt  }
0x7b: {  	_ =	shalt  }
0x7c: {  	_ =	shalt  }
0x7d: {  	_ =	shalt  }
0x7e: {  	_ =	shalt  }
0x7f: {  	_ =	shalt  }
0x80: {  	_ =	shalt  }
0x81: {  	_ =	shalt  }
0x82: {  	_ =	shalt  }
0x83: {  	_ =	shalt  }
0x84: {  	_ =	shalt  }
0x85: {  	_ =	shalt  }
0x86: {  	_ =	shalt  }
0x87: {  	_ =	shalt  }
.Lfunc_end0:
.L_simem_size_0:
called_computation_lowered:
.L_overlay_start_0:
0x88: {  	s2 =	sld [smem:$0x3FD9]  }
0x89: {  	s3 =	sld [smem:$0x3FFE];
	_ =	sdelay $0x1  }
0x8a: {  	s1 =	srdreg.scid  }
0x8b: {  	s0 =	sand.u32 $0x1, s1  }
0x8c: {  	s18 =	sshll.u32 s0, $0xA;
	s2 =	sadd.s32 s3, s2  }
0x8d: {  	s2 =	sadd.s32 s2, s18  }
0x8e: {  	[smem:$0x3FC7] =	sst s2  }
0x8f: {  	_ = 	snop  }
0x90: {  	s2 =	sld [smem:$0x3FC9]  }
0x91: {  	s19 =	sld [smem:$0x3FD0];
	(tm) =	ssettm $0x1  }
0x92: {  	s4 =	sld [smem:$0x3FFB];
	_ =	sdelay $0x3  }
0x93: {  	_ =	strace s4  }
0x94: {  	s4 =	sld [smem:$0x3FFC];
	_ =	sdelay $0x3  }
0x95: {  	_ =	strace s4  }
0x96: {  	s4 =	sld [smem:$0x3FFD];
	_ =	sdelay $0x3  }
0x97: {  	_ =	strace s4  }
0x98: {  	_ =	strace $0x8FFFFFFF  }
0x99: {  	s20 =	sld [smem:$0x3FDB];
	_ =	sdelay $0x1  }
0x9a: {  	s5 =	simm.s32 $_scs_section_size  }
0x9b: {  	s6 =	simm.s32 $_size__tile_overlayer_lowered;
	s7 =	simm.s32 $_tile_overlayer_lowered  }
0x9c: {  	s23 =	simm.s32 $0x1BFF;
	s22 =	sshll.u32 s7, $0x1;
	s4 =	sadd.s32 s5, s20  }
0x9d: {  	s8 =	simm.s32 $0x0;
	s21 =	sshll.u32 s6, $0x1;
	s6 =	sadd.s32 s22, s4  }
0x9e: {  	[timem:s8], [sflag:s23] =	dma.local [hbm:s6], s21  }
0x9f: {  	_ =	swait.ge [sflag:s23], s21  }
0xa0: {  	s5 =	ssub.s32 $0x0, s21;
	[sflag:s23] =	ssyncset.done $0x0  }
0xa1: {  	[sflag:s23] =	ssyncadd.s32 s5;
	_ =	sdelay $0x1  }
0xa2: {  	s24 =	simm.s32 $0x1B8B  }
0xa3: {  	_ =	swait.ge [sflag:s24], $0x1  }
0xa4: {  	[sflag:s24] =	ssyncset.done $0x0  }
0xa5: {  	s25 =	simm.s32 $0x1B8E;
	[sflag:s24] =	ssyncadd.s32 $0xFFFFFFFF  }
0xa6: {  	s26 =	simm.s32 $execute0_lowered;
	[smem:$0x3FD2] =	sst s25  }
0xa7: {  	s5 =	sshll.u32 s26, $0x1;
	_ =	strace $0x80000046;
	[dreg:$0x1] =	wrdreg $0xFFFFFFFF  }
0xa8: {  	s28 =	simm.s32 $_size_execute0_lowered;
	s4 =	sadd.s32 s4, s5;
	[dreg:$0x0] =	wrdreg $0x0  }
0xa9: {  	s5 =	sshll.u32 s28, $0x1;
	[dreg:$0x2] =	wrdreg s4  }
0xaa: {  	[dreg:$0x3] =	wrdreg s5  }
0xab: {  	[dreg:$0x4] =	wrdreg $0xC0  }
0xac: {  	_ =	task [dreg:s8], $0x5FFFF  }
0xad: {  	[dreg:$0x1] =	wrdreg $0xFFFFFFFF  }
0xae: {  	[dreg:$0x0] =	wrdreg $0x60  }
0xaf: {  	[dreg:$0x2] =	wrdreg s2  }
0xb0: {  	[dreg:$0x3] =	wrdreg s19  }
0xb1: {  	[dreg:$0x4] =	wrdreg $0x9  }
0xb2: {  	_ =	task.clear_ibuf [dreg:s8], $0x5FFFF;
	_ =	strace $0x90000046  }
0xb3: {  	s29 =	simm.s32 $0x9;
	_ =	strace $0x80000048  }
0xb4: {  	_ =	swait.ge [sflag:s29], $0x1  }
0xb5: {  	[sflag:s29] =	ssyncadd.s32 $0xFFFFFFFF  }
0xb6: {  	_ =	strace $0x90000048  }
0xb7: {  	_ =	sfence  }
0xb8: {  	s30 =	sld [smem:$0x0];
	_ =	sdelay $0x2  }
0xb9: {  	s31 =	sshll.u32 s1, $0xD;
	s1 =	sshrl.u32 s1, $0x2  }
0xba: {  	s3 =	sand.u32 $0x4000, s31;
	s1 =	sadd.s32 s1, s30  }
0xbb: {  	s0 =	sor.u32 s3, s0;
	s1 =	sshll.u32 s1, $0x11  }
0xbc: {  	s0 =	sor.u32 s1, s0  }
0xbd: {  	s0 =	sadd.s32 $0x8F2B, s0  }
0xbe: {  	[sflag:s0] =	ssyncadd.remote.s32 $0x1  }
0xbf: {  	_ =	sfence.sel $0xFFFF  }
0xc0: {  	[dreg:$0x0] =	wrdreg $0xFFFFFFFF;
	(pc) =	sbr.abs _section_cstart, $3  }
0xc1: {  	[dreg:$0x1] =	wrdreg $0xFFFFFFFF  }
0xc2: {  	_ =	task.clear_ibuf [dreg:s8], $0x2FFFF;
	_ =	strace $0x9FFFFFFF  }
0xc3: {  	(tm) =	ssettm $0x7FFFFFFF  }
tec
execute0_lowered:
.L_overlay_start_1:
0x0: {  	(tag) =	ssettag $0x1  }
0x1: {  	s3 =	rddreg [dreg:$0x0]  }
0x2: {  	s4 =	rddreg [dreg:$0x1]  }
0x3: {  	s0 =	rddreg [dreg:$0x2]  }
0x4: {  	s1 =	simm.s32 $0x0;
	s2 =	srdreg.scid;
	p0 =	por $0x1, $0x1  }
0x5: {  	s10 =	simm.s32 $0x8000;
	s11 =	simm.s32 $0x3;
	s12 =	simm.s32 $0x8240  }
0x6: {  	s13 =	simm.s32 $0x0;
	[smem:$0x7FF] =	sst s1;
	s5 =	sand.u32 $0x1, s2  }
0x7: {  	s2 =	stileid.u32;
	_ =	strace $0x80000047;
	s6 =	ssub.s32 $0x2, s5  }
0x8: {  	s5 =	sshll.u32 s5, $0x4;
	s8 =	sshll.u32 s2, $0x5;
	s7 =	sshrl.u32 s6, $0x1  }
.Ltmp0:
0x9: {  	s5 =	sor.u32 s2, s5;
	s8 =	sand.u32 $0x60, s8;
	(pc) =	sbr.rel .LBB2_1-.Ltmp0, $4  }
0xa: {  	s9 =	sshll.u32 s5, $0xC;
	s5 =	sshll.u32 s5, $0x6;
	s8 =	sadd.s32 s4, s8  }
0xb: {  	s6 =	ssub.s32 s6, s7;
	s7 =	simm.s32 $0x4000;
	s3 =	sadd.s32 s3, s9  }
0xc: {  	s5 =	sand.u32 $0x700, s5;
	s6 =	smax.u32 s6, $0x1;
	s9 =	simm.s32 $0xFF800000  }
0xd: {  	v0 =	vimm.f32 $-Inf;
	v1 =	vlaneseq.u32;
	s4 =	sadd.s32 $0x800, s3;
	s5 =	sadd.s32 s5, s8;
	s8 =	simm.s32 $0x80  }
.LBB2_15:
0xe: {  	s13 =	sadd.s32 $0x1, s13  }
0xf: {  	p1 =	sne.s32 s13, s6  }
.Ltmp1:
0x10: {  	_ = 	snop;
	(pc) =	sbr.rel @!p1 .LBB2_16-.Ltmp1, $1  }
0x11: {  	_ =	sdelay $0x3  }
.LBB2_1:
.Ltmp2:
0x12: {  	(pc) =	sbr.rel .LBB2_2-.Ltmp2, $4  }
0x13: {  	_ = 	snop  }
0x14: {  	[tilespmem:s1], [sflag:$0x1] =	stream.linear.gather [hbm4b:s3+s1], $0x4000, $0x38;
	[tilespmem:$0x8480] =	vst v63  }
0x15: {  	p2 =	por $0x1, $0x1;
	s14 =	simm.s32 $0x0  }
0x16: {  	[tilespmem:s7], [sflag:$0x2] =	stream.linear.gather [hbm4b:s4+s1], $0x4000, $0x38;
	[tilespmem:$0x8480] =	vst v63  }
.LBB2_14:
0x17: {  	s14 =	sshll.u32 s14, $0x4  }
0x18: {  	s14 =	sadd.s32 s14, s5  }
0x19: {  	[hbm4b:s14+s1] =	stream.linear.scatter [tilespmem:s10], [sflag:$0x3], $0x80, $0x38;
	[tilespmem:$0x8480] =	vst v63  }
0x1a: {  	_ =	swait.ge [sflag:s11], $0x80  }
0x1b: {  	[sflag:s11] =	ssyncset.done $0x0  }
.Ltmp3:
0x1c: {  	s14 =	sadd.s32 $0x80, s14;
	[sflag:s11] =	ssyncadd.s32 $0xFFFFFF80;
	(pc) =	sbr.rel @!p1 .LBB2_15-.Ltmp3, $4  }
0x1d: {  	[hbm4b:s14+s1] =	stream.linear.scatter [tilespmem:s12], [sflag:$0x3], $0x80, $0x38;
	[tilespmem:$0x8480] =	vst v63  }
0x1e: {  	_ =	swait.ge [sflag:s11], $0x80  }
0x1f: {  	[sflag:s11] =	ssyncset.done $0x0  }
0x20: {  	p2 =	por $0x0, $0x0;
	s14 =	simm.s32 $0x1;
	[sflag:s11] =	ssyncadd.s32 $0xFFFFFF80  }
.LBB2_2:
0x21: {  	s15 =	sadd.s32 $0x1, s14  }
0x22: {  	_ =	swait.ge [sflag:s15], $0x4000  }
0x23: {  	[sflag:s15] =	ssyncset.done $0x0  }
0x24: {  	[sflag:s15] =	ssyncadd.s32 $0xFFFFC000  }
0x25: {  	[tilespmem:$0x8000] =	vst v0  }
0x26: {  	[tilespmem:$0x8240] =	vst v0  }
0x27: {  	[tilespmem:$0x8010] =	vst v0  }
0x28: {  	[tilespmem:$0x8250] =	vst v0  }
0x29: {  	[tilespmem:$0x8020] =	vst v0  }
0x2a: {  	[tilespmem:$0x8260] =	vst v0  }
0x2b: {  	[tilespmem:$0x8030] =	vst v0  }
0x2c: {  	[tilespmem:$0x8270] =	vst v0  }
0x2d: {  	[tilespmem:$0x8040] =	vst v0  }
0x2e: {  	[tilespmem:$0x8280] =	vst v0  }
0x2f: {  	[tilespmem:$0x8050] =	vst v0  }
.Ltmp4:
0x30: {  	[tilespmem:$0x8290] =	vst v0;
	(pc) =	sbr.rel .LBB2_3-.Ltmp4, $4  }
0x31: {  	[tilespmem:$0x8060] =	vst v0;
	[smem:$0x0] =	sst s8  }
0x32: {  	s31 =	sshll.u32 s14, $0xE;
	[tilespmem:$0x82A0] =	vst v0;
	[smem:$0x1] =	sst s8  }
0x33: {  	s16 =	sand.u32 $0x3FFFC000, s31;
	[tilespmem:$0x8070] =	vst v0;
	[smem:$0x80] =	sst s9  }
0x34: {  	p1 =	por p2, p2;
	v2 =	vmov s16;
	s15 =	simm.s32 $0x0;
	[tilespmem:$0x82B0] =	vst v0;
	[smem:$0x81] =	sst s9  }
.LBB2_12:
.Ltmp5:
0x35: {  	(pc) =	sbr.rel @p2 .LBB2_14-.Ltmp5, $1  }
0x36: {  	_ =	sdelay $0x3  }
.LBB2_13:
0x37: {  	_ =	sdelay $0x1  }
0x38: {  	s16 =	sshll.u32 s15, $0x8  }
0x39: {  	s16 =	sand.u32 $0x3FFFFF00, s16  }
0x3a: {  	v3 =	vld.idx.msk [tilespmem:v2+s16+$0x0 ss:$0x1], $0xffff  }
0x3b: {  	v4 =	vld.idx.msk [tilespmem:v2+s16+$0x80 ss:$0x1], $0xffff  }
0x3c: {  	s17 =	sld [smem:$0x80];
	v5 =	vld.idx.msk [tilespmem:v2+s16+$0x10 ss:$0x1], $0xffff  }
0x3d: {  	s18 =	sld [smem:$0x81];
	v6 =	vld.idx.msk [tilespmem:v2+s16+$0x90 ss:$0x1], $0xffff  }
0x3e: {  	v7 =	vld.idx.msk [tilespmem:v2+s16+$0x20 ss:$0x1], $0xffff  }
0x3f: {  	v8 =	vld.idx.msk [tilespmem:v2+s16+$0xA0 ss:$0x1], $0xffff;
	vm0 =	vgt.f32 v3, s17  }
0x40: {  	v10 =	vld.idx.msk [tilespmem:v2+s16+$0x30 ss:$0x1], $0xffff;
	vm1 =	vgt.f32 v4, s18;
	v9 =	vmpcnt.ones.xlane vm0  }
0x41: {  	v12 =	vld.idx.msk [tilespmem:v2+s16+$0xB0 ss:$0x1], $0xffff;
	vm2 =	vgt.f32 v5, s17;
	v11 =	vmpcnt.ones.xlane vm1  }
0x42: {  	v13 =	vld.idx.msk [tilespmem:v2+s16+$0x40 ss:$0x1], $0xffff;
	vm3 =	vgt.f32 v6, s18;
	v50 =	vmpcnt.ones.xlane vm2;
	(v2sf) =	vpush v9, $0x0  }
0x43: {  	v14 =	vld.idx.msk [tilespmem:v2+s16+$0xC0 ss:$0x1], $0xffff;
	vm4 =	vgt.f32 v7, s17;
	v51 =	vmpcnt.ones.xlane vm3;
	(v2sf) =	vpush v11, $0x0  }
0x44: {  	v15 =	vld.idx.msk [tilespmem:v2+s16+$0x50 ss:$0x1], $0xffff;
	vm5 =	vgt.f32 v8, s18;
	v52 =	vmpcnt.ones.xlane vm4;
	(v2sf) =	vpush v50, $0x0  }
0x45: {  	v16 =	vld.idx.msk [tilespmem:v2+s16+$0xD0 ss:$0x1], $0xffff;
	vm6 =	vgt.f32 v10, s17;
	v53 =	vmpcnt.ones.xlane vm5;
	(v2sf) =	vpush v51, $0x0  }
0x46: {  	v17 =	vld.idx.msk [tilespmem:v2+s16+$0x60 ss:$0x1], $0xffff;
	vm7 =	vgt.f32 v12, s18;
	v54 =	vmpcnt.ones.xlane vm6;
	(v2sf) =	vpush v52, $0x0  }
0x47: {  	v18 =	vld.idx.msk [tilespmem:v2+s16+$0xE0 ss:$0x1], $0xffff;
	vm8 =	vgt.f32 v13, s17;
	v55 =	vmpcnt.ones.xlane vm7;
	(v2sf) =	vpush v53, $0x0  }
0x48: {  	v19 =	vld.idx.msk [tilespmem:v2+s16+$0x70 ss:$0x1], $0xffff;
	vm9 =	vgt.f32 v14, s18;
	v56 =	vmpcnt.ones.xlane vm8;
	(v2sf) =	vpush v54, $0x0  }
0x49: {  	v20 =	vld.idx.msk [tilespmem:v2+s16+$0xF0 ss:$0x1], $0xffff;
	vm13 =	vgt.f32 v15, s17;
	v57 =	vmpcnt.ones.xlane vm9;
	(v2sf) =	vpush v55, $0x0  }
0x4a: {  	vm14 =	vgt.f32 v16, s18;
	v58 =	vmpcnt.ones.xlane vm13;
	(v2sf) =	vpush v56, $0x0  }
0x4b: {  	vm15 =	vgt.f32 v17, s17;
	v59 =	vmpcnt.ones.xlane vm14;
	(v2sf) =	vpush v57, $0x0  }
0x4c: {  	vm11 =	vgt.f32 v18, s18;
	v60 =	vmpcnt.ones.xlane vm15;
	(v2sf) =	vpush v58, $0x0  }
0x4d: {  	vm12 =	vgt.f32 v19, s17;
	v61 =	vmpcnt.ones.xlane vm11;
	(v2sf) =	vpush v59, $0x0  }
0x4e: {  	vm10 =	vgt.f32 v20, s18;
	v62 =	vmpcnt.ones.xlane vm12;
	(v2sf) =	vpush v60, $0x0  }
0x4f: {  	v63 =	vmpcnt.ones.xlane vm10;
	(v2sf) =	vpush v61, $0x0  }
0x50: {  	s22 =	sld [smem:$0x0];
	(v2sf) =	vpush v62, $0x0  }
0x51: {  	s24 =	sld [smem:$0x1];
	(v2sf) =	vpush v63, $0x0;
	s23 =	spop (v2sf)  }
0x52: {  	s19 =	spop (v2sf)  }
0x53: {  	[tilespmem:s22+$0x8000] =	vst.msk vm0, v3;
	s20 =	spop (v2sf)  }
0x54: {  	[tilespmem:s24+$0x8240] =	vst.msk vm1, v4;
	s16 =	sadd.s32 s22, s23;
	s21 =	spop (v2sf)  }
0x55: {  	[tilespmem:s16+$0x8000] =	vst.msk vm2, v5;
	s18 =	sadd.s32 s24, s19;
	s25 =	spop (v2sf)  }
0x56: {  	[tilespmem:s18+$0x8240] =	vst.msk vm3, v6;
	s16 =	sadd.s32 s16, s20;
	s26 =	spop (v2sf)  }
0x57: {  	[tilespmem:s16+$0x8000] =	vst.msk vm4, v7;
	s18 =	sadd.s32 s18, s21;
	s28 =	spop (v2sf)  }
0x58: {  	[tilespmem:s18+$0x8240] =	vst.msk vm5, v8;
	s16 =	sadd.s32 s16, s25;
	s29 =	spop (v2sf)  }
0x59: {  	[tilespmem:s16+$0x8000] =	vst.msk vm6, v10;
	s18 =	sadd.s32 s18, s26;
	s30 =	spop (v2sf)  }
0x5a: {  	[tilespmem:s18+$0x8240] =	vst.msk vm7, v12;
	s16 =	sadd.s32 s16, s28;
	s31 =	spop (v2sf)  }
0x5b: {  	[tilespmem:s16+$0x8000] =	vst.msk vm8, v13;
	s18 =	sadd.s32 s18, s29;
	s22 =	spop (v2sf)  }
0x5c: {  	[tilespmem:s18+$0x8240] =	vst.msk vm9, v14;
	s16 =	sadd.s32 s16, s30;
	s23 =	spop (v2sf)  }
0x5d: {  	[tilespmem:s16+$0x8000] =	vst.msk vm13, v15;
	s18 =	sadd.s32 s18, s31;
	s24 =	spop (v2sf)  }
0x5e: {  	[tilespmem:s18+$0x8240] =	vst.msk vm14, v16;
	s16 =	sadd.s32 s16, s22;
	s25 =	spop (v2sf)  }
0x5f: {  	[tilespmem:s16+$0x8000] =	vst.msk vm15, v17;
	s18 =	sadd.s32 s18, s23;
	s16 =	sadd.s32 s16, s24;
	s26 =	spop (v2sf)  }
0x60: {  	[tilespmem:s18+$0x8240] =	vst.msk vm11, v18;
	s28 =	sadd.s32 s18, s25;
	s29 =	sadd.s32 s16, s26;
	s30 =	spop (v2sf)  }
0x61: {  	[tilespmem:s16+$0x8000] =	vst.msk vm12, v19;
	s31 =	sadd.s32 s28, s30;
	[smem:$0x0] =	sst s29  }
0x62: {  	s15 =	sadd.s32 $0x1, s15;
	[tilespmem:s28+$0x8240] =	vst.msk vm10, v20;
	[smem:$0x1] =	sst s31  }
.LBB2_3:
0x63: {  	s16 =	sld [smem:$0x0];
	_ =	sdelay $0x1  }
0x64: {  	s17 =	sld [smem:$0x1];
	p2 =	seq.s32 s15, $0x40  }
0x65: {  	p3 =	sgt.s32 @!p2 s16, $0x17F  }
0x66: {  	p3 =	por p2, p3  }
0x67: {  	p4 =	slt.s32 @!p3 s17, $0x180  }
0x68: {  	p4 =	por p3, !p4  }
.Ltmp6:
0x69: {  	_ = 	snop;
	(pc) =	sbr.rel @!p4 .LBB2_13-.Ltmp6, $1  }
0x6a: {  	_ =	sdelay $0x3  }
.Ltmp7:
0x6b: {  	(pc) =	sbr.rel .LBB2_5-.Ltmp7, $4  }
0x6c: {  	_ = 	snop  }
0x6d: {  	p4 =	por $0x1, $0x1;
	s16 =	simm.s32 $0x0  }
0x6e: {  	p4 =	por @!p2 p4, p4;
	s16 =	simm.s32 @p2 $0x0  }
0x6f: {  	p4 =	por @!p3 p0, p0;
	s16 =	simm.s32 @!p3 $0x0  }
.LBB2_11:
.Ltmp8:
0x70: {  	(pc) =	sbr.rel @!p3 .LBB2_12-.Ltmp8, $2  }
0x71: {  	_ =	sdelay $0x2  }
0x72: {  	s16 =	simm.s32 $0x1;
	p4 =	por $0x0, $0x0  }
.LBB2_5:
0x73: {  	s20 =	sld [smem:s16+$0x0];
	_ =	sdelay $0x2  }
0x74: {  	p3 =	slt.s32 @!p2 s20, $0x180  }
0x75: {  	p5 =	por p2, !p3  }
.Ltmp9:
0x76: {  	_ = 	snop;
	(pc) =	sbr.rel @!p5 .LBB2_11-.Ltmp9, $2  }
0x77: {  	_ =	sdelay $0x2  }
0x78: {  	p3 =	por p4, p4  }
0x79: {  	s17 =	smul.u32 $0x900, s16;
	_ =	sdelay $0x1  }
0x7a: {  	s18 =	sshra.s32 s17, $0x2  }
0x7b: {  	s19 =	sadd.s32 $0x80F0, s18  }
0x7c: {  	s17 =	smul.u32 $0x240, s16;
	v4 =	vld [tilespmem:s19+$0xFFFFFFF0]  }
0x7d: {  	v5 =	vld [tilespmem:s19+$0xFFFFFFD0]  }
0x7e: {  	s22 =	simm.s32 $0xE0;
	s21 =	sshll.u32 s17, $0x2;
	v6 =	vld [tilespmem:s19+$0x0]  }
0x7f: {  	v3 =	vmov s20;
	s24 =	simm.s32 $0xC0;
	v8 =	vor.u32 s22, v1;
	v7 =	vld [tilespmem:s19+$0xFFFFFFE0];
	s23 =	sadd.s32 $0x200, s21  }
0x80: {  	v9 =	vor.u32 s24, v1;
	vm0 =	vlt.s32 v8, v3;
	s20 =	sand.u32 $0xFFFFFE00, s23;
	s23 =	simm.s32 $0xF0  }
0x81: {  	s25 =	sshll.u32 s16, $0x8;
	s26 =	simm.s32 $0xD0;
	vm1 =	vlt.s32 v9, v3;
	v22 =	vor.u32 s23, v1;
	v4 =	vnsel vm0, $0xFF800000, v4  }
0x82: {  	v11 =	vor.u32 s26, v1;
	v21 =	vld [tilespmem:s19+$0xFFFFFFC0];
	s20 =	sadd.s32 s25, s20;
	vm10 =	vlt.s32 v22, v3;
	v5 =	vnsel vm1, $0xFF800000, v5;
	(xrf1) =	vsort.dscd.msk.f32 $0xffff, v4, v4  }
0x83: {  	vm11 =	vlt.s32 v11, v3;
	v10 =	vld [tilespmem:s19+$0xFFFFFFB0];
	s20 =	sshra.s32 s20, $0x2;
	v6 =	vnsel vm10, $0xFF800000, v6;
	(xrf1) =	vsort.dscd.msk.f32 $0xffff, v5, v5  }
0x84: {  	s28 =	simm.s32 $0xB0;
	s20 =	sadd.s32 $0x8000, s20;
	v7 =	vnsel vm11, $0xFF800000, v7;
	v4 =	vld [tilespmem:s19+$0xFFFFFFA0];
	(xrf1) =	vsort.ascd.msk.f32 $0xffff, v6, v6  }
0x85: {  	s29 =	simm.s32 $0xA0;
	v23 =	vor.u32 s28, v1;
	v5 =	vld [tilespmem:s20+$0x0];
	(xrf1) =	vsort.ascd.msk.f32 $0xffff, v7, v7  }
0x86: {  	s30 =	simm.s32 $0x90;
	v24 =	vor.u32 s29, v1;
	vm12 =	vlt.s32 v23, v3  }
0x87: {  	s31 =	simm.s32 $0x80;
	v25 =	vor.u32 s30, v1;
	vm13 =	vlt.s32 v24, v3;
	v26 =	vnsel vm12, $0xFF800000, v21  }
0x88: {  	v27 =	vor.u32 s31, v1;
	vm14 =	vlt.s32 v25, v3;
	v28 =	vnsel vm13, $0xFF800000, v10;
	(xrf1) =	vsort.ascd.msk.f32 $0xffff, v26, v26  }
0x89: {  	vm15 =	vlt.s32 v27, v3;
	v4 =	vnsel vm14, $0xFF800000, v4;
	(xrf1) =	vsort.dscd.msk.f32 $0xffff, v28, v28  }
0x8a: {  	v5 =	vnsel vm15, $0xFF800000, v5;
	(xrf1) =	vsort.ascd.msk.f32 $0xffff, v4, v4  }
0x8b: {  	(xrf1) =	vsort.dscd.msk.f32 $0xffff, v5, v5;
	_ =	sdelay $0x4  }
0x8c: {  	v4, _, _ =	vpop (xrf1)  }
0x8d: {  	v5, _, _ =	vpop (xrf1)  }
0x8e: {  	v29, _, _ =	vpop (xrf1)  }
0x8f: {  	v30 =	vmin.f32 v4, v29;
	v31, _, _ =	vpop (xrf1)  }
0x90: {  	v32 =	vmax.f32 v5, v31;
	(xrf1) =	vsort.ascd.msk.f32 $0xffff, v30, v30  }
0x91: {  	v4 =	vmax.f32 v4, v29;
	(xrf1) =	vsort.dscd.msk.f32 $0xffff, v32, v32  }
0x92: {  	v33, _, _ =	vpop (xrf1);
	v5 =	vmin.f32 v5, v31;
	(xrf1) =	vsort.ascd.msk.f32 $0xffff, v4, v4  }
0x93: {  	v34, _, _ =	vpop (xrf1);
	(xrf1) =	vsort.dscd.msk.f32 $0xffff, v5, v5  }
0x94: {  	v4 =	vmax.f32 v34, v33;
	v35, _, _ =	vpop (xrf1)  }
0x95: {  	v5 =	vmin.f32 v34, v33;
	v36, _, _ =	vpop (xrf1);
	(xrf1) =	vsort.ascd.msk.f32 $0xffff, v4, v4  }
0x96: {  	v4 =	vmax.f32 v36, v35;
	(xrf1) =	vsort.ascd.msk.f32 $0xffff, v5, v5  }
0x97: {  	v5 =	vmin.f32 v36, v35;
	(xrf1) =	vsort.dscd.msk.f32 $0xffff, v4, v4  }
0x98: {  	(xrf1) =	vsort.dscd.msk.f32 $0xffff, v5, v5;
	_ =	sdelay $0x5  }
0x99: {  	v4, _, _ =	vpop (xrf1)  }
0x9a: {  	v5, _, _ =	vpop (xrf1)  }
0x9b: {  	v37, _, _ =	vpop (xrf1)  }
0x9c: {  	v38, _, _ =	vpop (xrf1)  }
0x9d: {  	v40 =	vmin.f32 v5, v4;
	v4 =	vmax.f32 v5, v4;
	v5 =	vmax.f32 v38, v37  }
0x9e: {  	v39, _, _ =	vpop (xrf1)  }
0x9f: {  	v6 =	vmin.f32 v38, v37;
	v41, _, _ =	vpop (xrf1);
	v42 =	vmin.f32 v4, v5  }
0xa0: {  	v4 =	vmax.f32 v4, v5;
	v43 =	vmin.f32 v40, v6;
	(xrf1) =	vsort.ascd.msk.f32 $0xffff, v42, v42;
	v5, _, _ =	vpop (xrf1)  }
0xa1: {  	(xrf1) =	vsort.ascd.msk.f32 $0xffff, v43, v43;
	v12, _, _ =	vpop (xrf1)  }
0xa2: {  	v44 =	vmax.f32 v5, v41;
	v5 =	vmin.f32 v5, v41;
	v45 =	vmax.f32 v12, v39  }
0xa3: {  	(xrf1) =	vsort.ascd.msk.f32 $0xffff, v4, v4;
	v8 =	vmin.f32 v12, v39;
	v4 =	vmax.f32 v44, v45  }
0xa4: {  	v46 =	vmin.f32 v5, v8;
	(xrf1) =	vsort.dscd.msk.f32 $0xffff, v4, v4  }
0xa5: {  	v4 =	vmax.f32 v5, v8;
	(xrf1) =	vsort.dscd.msk.f32 $0xffff, v46, v46  }
0xa6: {  	v5 =	vmax.f32 v40, v6;
	(xrf1) =	vsort.dscd.msk.f32 $0xffff, v4, v4  }
0xa7: {  	v4 =	vmin.f32 v44, v45;
	(xrf1) =	vsort.ascd.msk.f32 $0xffff, v5, v5  }
0xa8: {  	(xrf1) =	vsort.dscd.msk.f32 $0xffff, v4, v4;
	_ =	sdelay $0x6  }
0xa9: {  	v4, _, _ =	vpop (xrf1)  }
0xaa: {  	v5, _, _ =	vpop (xrf1)  }
0xab: {  	v47, _, _ =	vpop (xrf1)  }
0xac: {  	v48, _, _ =	vpop (xrf1)  }
0xad: {  	v49, _, _ =	vpop (xrf1)  }
0xae: {  	v50, _, _ =	vpop (xrf1)  }
0xaf: {  	v51 =	vmax.f32 v48, v5;
	v52, _, _ =	vpop (xrf1)  }
0xb0: {  	v5 =	vmin.f32 v48, v5;
	v53 =	vmax.f32 v49, v47;
	v6 =	vmin.f32 v49, v47;
	v54, _, _ =	vpop (xrf1)  }
0xb1: {  	v55 =	vmax.f32 v50, v4;
	v4 =	vmin.f32 v50, v4;
	v56 =	vmax.f32 v54, v52  }
0xb2: {  	v13 =	vmin.f32 v51, v55;
	v10 =	vmax.f32 v51, v55;
	v57 =	vmax.f32 v56, v53  }
0xb3: {  	v14 =	vmax.f32 v5, v4;
	v4 =	vmin.f32 v5, v4;
	v58 =	vmax.f32 v10, v57  }
0xb4: {  	v7 =	vmin.f32 v56, v53;
	v59 =	vmin.f32 v10, v57;
	(xrf1) =	vsort.dscd.msk.f32 $0xffff, v58, v58  }
0xb5: {  	v8 =	vmin.f32 v54, v52;
	v61 =	vmax.f32 v13, v7;
	(xrf1) =	vsort.dscd.msk.f32 $0xffff, v59, v59  }
0xb6: {  	v60 =	vmax.f32 v8, v6;
	v7 =	vmin.f32 v13, v7;
	(xrf1) =	vsort.dscd.msk.f32 $0xffff, v61, v61  }
0xb7: {  	v5 =	vmin.f32 v8, v6;
	v62 =	vmax.f32 v14, v60;
	(xrf1) =	vsort.dscd.msk.f32 $0xffff, v7, v7  }
0xb8: {  	v6 =	vmin.f32 v4, v5;
	(xrf1) =	vsort.dscd.msk.f32 $0xffff, v62, v62  }
0xb9: {  	v63 =	vmin.f32 v14, v60;
	(xrf1) =	vsort.dscd.msk.f32 $0xffff, v6, v6  }
0xba: {  	s21 =	smov.u32 s19;
	v4 =	vmax.f32 v4, v5;
	(xrf1) =	vsort.dscd.msk.f32 $0xffff, v63, v63  }
0xbb: {  	s23 =	simm.s32 $0x170;
	s24 =	smov.u32 s20;
	s22 =	smov.u32 s20;
	(xrf1) =	vsort.dscd.msk.f32 $0xffff, v4, v4  }
.LBB2_7:
0xbc: {  	_ =	sdelay $0x2  }
0xbd: {  	p4 =	sne.s32 s23, $0x1F0;
	s24 =	sadd.s32 $0x80, s24;
	s19 =	sadd.s32 $0x80, s19  }
0xbe: {  	s25 =	smov.u32 s23;
	s23 =	sadd.s32 $0x80, s23;
	_ =	sdelay $0x1  }
0xbf: {  	v4, _, _ =	vpop (xrf1)  }
0xc0: {  	[tilespmem:s22+$0x0] =	vst v4;
	v4, _, _ =	vpop (xrf1)  }
0xc1: {  	[tilespmem:s22+$0x10] =	vst v4;
	v4, _, _ =	vpop (xrf1)  }
0xc2: {  	[tilespmem:s22+$0x20] =	vst v4;
	v4, _, _ =	vpop (xrf1)  }
0xc3: {  	[tilespmem:s22+$0x30] =	vst v4;
	v4, _, _ =	vpop (xrf1);
	s22 =	smov.u32 s24  }
0xc4: {  	[tilespmem:s21+$0xFFFFFFD0] =	vst v4;
	v4, _, _ =	vpop (xrf1)  }
0xc5: {  	[tilespmem:s21+$0x0] =	vst v4;
	v4, _, _ =	vpop (xrf1)  }
0xc6: {  	v5 =	vld [tilespmem:s19+$0xFFFFFFF0];
	[tilespmem:s21+$0xFFFFFFE0] =	vst v4;
	v4, _, _ =	vpop (xrf1)  }
0xc7: {  	v6 =	vld [tilespmem:s19+$0xFFFFFFD0];
	[tilespmem:s21+$0xFFFFFFF0] =	vst v4;
	s21 =	smov.u32 s19  }
0xc8: {  	s26 =	sadd.s32 $0xFFFFFFF0, s25;
	v4 =	vld [tilespmem:s19+$0x0]  }
0xc9: {  	s28 =	sadd.s32 $0xFFFFFFD0, s25;
	v8 =	vor.u32 s26, v1;
	v7 =	vld [tilespmem:s19+$0xFFFFFFE0]  }
0xca: {  	v9 =	vor.u32 s28, v1;
	vm0 =	vlt.s32 v8, v3  }
0xcb: {  	s26 =	sadd.s32 $0xFFFFFFE0, s25;
	vm1 =	vlt.s32 v9, v3;
	v9 =	vor.u32 s25, v1;
	v8 =	vld [tilespmem:s19+$0xFFFFFFC0];
	v5 =	vnsel vm0, $0xFF800000, v5  }
0xcc: {  	v11 =	vor.u32 s26, v1;
	vm0 =	vlt.s32 v9, v3;
	v10 =	vld [tilespmem:s19+$0xFFFFFFB0];
	v6 =	vnsel vm1, $0xFF800000, v6;
	(xrf1) =	vsort.dscd.msk.f32 $0xffff, v5, v5  }
0xcd: {  	s26 =	sadd.s32 $0xFFFFFFC0, s25;
	vm1 =	vlt.s32 v11, v3;
	v5 =	vld [tilespmem:s19+$0xFFFFFFA0];
	v4 =	vnsel vm0, $0xFF800000, v4;
	(xrf1) =	vsort.dscd.msk.f32 $0xffff, v6, v6  }
0xce: {  	s28 =	sadd.s32 $0xFFFFFFB0, s25;
	v9 =	vor.u32 s26, v1;
	v6 =	vld [tilespmem:s24+$0x0];
	v7 =	vnsel vm1, $0xFF800000, v7;
	(xrf1) =	vsort.ascd.msk.f32 $0xffff, v4, v4  }
0xcf: {  	s26 =	sadd.s32 $0xFFFFFFA0, s25;
	vm0 =	vlt.s32 v9, v3;
	v4 =	vor.u32 s28, v1;
	(xrf1) =	vsort.ascd.msk.f32 $0xffff, v7, v7  }
0xd0: {  	s25 =	sadd.s32 $0xFFFFFF90, s25;
	v7 =	vor.u32 s26, v1;
	vm1 =	vlt.s32 v4, v3;
	v4 =	vnsel vm0, $0xFF800000, v8  }
0xd1: {  	v8 =	vor.u32 s25, v1;
	vm0 =	vlt.s32 v7, v3;
	v7 =	vnsel vm1, $0xFF800000, v10;
	(xrf1) =	vsort.ascd.msk.f32 $0xffff, v4, v4  }
0xd2: {  	vm1 =	vlt.s32 v8, v3;
	v4 =	vnsel vm0, $0xFF800000, v5;
	(xrf1) =	vsort.dscd.msk.f32 $0xffff, v7, v7  }
0xd3: {  	v5 =	vnsel vm1, $0xFF800000, v6;
	(xrf1) =	vsort.ascd.msk.f32 $0xffff, v4, v4  }
0xd4: {  	(xrf1) =	vsort.dscd.msk.f32 $0xffff, v5, v5;
	_ =	sdelay $0x5  }
0xd5: {  	v4, _, _ =	vpop (xrf1)  }
0xd6: {  	v5, _, _ =	vpop (xrf1)  }
0xd7: {  	v6, _, _ =	vpop (xrf1)  }
0xd8: {  	v7 =	vmin.f32 v4, v6;
	v4 =	vmax.f32 v4, v6;
	v6, _, _ =	vpop (xrf1)  }
0xd9: {  	v8 =	vmax.f32 v5, v6;
	v5 =	vmin.f32 v5, v6;
	(xrf1) =	vsort.ascd.msk.f32 $0xffff, v7, v7  }
0xda: {  	v6, _, _ =	vpop (xrf1);
	(xrf1) =	vsort.dscd.msk.f32 $0xffff, v8, v8  }
0xdb: {  	v7, _, _ =	vpop (xrf1);
	(xrf1) =	vsort.ascd.msk.f32 $0xffff, v4, v4  }
0xdc: {  	v4 =	vmin.f32 v7, v6;
	v6 =	vmax.f32 v7, v6;
	v7, _, _ =	vpop (xrf1);
	(xrf1) =	vsort.dscd.msk.f32 $0xffff, v5, v5  }
0xdd: {  	v5, _, _ =	vpop (xrf1);
	(xrf1) =	vsort.ascd.msk.f32 $0xffff, v6, v6  }
0xde: {  	v6 =	vmax.f32 v5, v7;
	v5 =	vmin.f32 v5, v7;
	(xrf1) =	vsort.ascd.msk.f32 $0xffff, v4, v4  }
0xdf: {  	(xrf1) =	vsort.dscd.msk.f32 $0xffff, v6, v6  }
0xe0: {  	(xrf1) =	vsort.dscd.msk.f32 $0xffff, v5, v5;
	_ =	sdelay $0x6  }
0xe1: {  	v4, _, _ =	vpop (xrf1)  }
0xe2: {  	v5, _, _ =	vpop (xrf1)  }
0xe3: {  	v6, _, _ =	vpop (xrf1)  }
0xe4: {  	v7 =	vmin.f32 v5, v4;
	v4 =	vmax.f32 v5, v4;
	v5, _, _ =	vpop (xrf1)  }
0xe5: {  	v12 =	vmin.f32 v5, v6;
	v11 =	vmax.f32 v5, v6;
	v6, _, _ =	vpop (xrf1)  }
0xe6: {  	v9 =	vmax.f32 v7, v12;
	v10 =	vmin.f32 v4, v11;
	v4 =	vmax.f32 v4, v11;
	v5, _, _ =	vpop (xrf1)  }
0xe7: {  	v7 =	vmin.f32 v7, v12;
	v8, _, _ =	vpop (xrf1);
	(xrf1) =	vsort.ascd.msk.f32 $0xffff, v10, v10  }
0xe8: {  	v10 =	vmax.f32 v8, v5;
	v5 =	vmin.f32 v8, v5;
	v8, _, _ =	vpop (xrf1);
	(xrf1) =	vsort.ascd.msk.f32 $0xffff, v7, v7  }
0xe9: {  	v7 =	vmax.f32 v8, v6;
	v6 =	vmin.f32 v8, v6;
	(xrf1) =	vsort.ascd.msk.f32 $0xffff, v4, v4  }
0xea: {  	v4 =	vmax.f32 v10, v7;
	v7 =	vmin.f32 v10, v7;
	v8 =	vmax.f32 v5, v6  }
0xeb: {  	v5 =	vmin.f32 v5, v6;
	(xrf1) =	vsort.dscd.msk.f32 $0xffff, v4, v4  }
0xec: {  	(xrf1) =	vsort.dscd.msk.f32 $0xffff, v5, v5  }
0xed: {  	(xrf1) =	vsort.dscd.msk.f32 $0xffff, v8, v8  }
0xee: {  	(xrf1) =	vsort.ascd.msk.f32 $0xffff, v9, v9  }
0xef: {  	(xrf1) =	vsort.dscd.msk.f32 $0xffff, v7, v7;
	_ =	sdelay $0x5  }
0xf0: {  	v4, _, _ =	vpop (xrf1)  }
0xf1: {  	v5, _, _ =	vpop (xrf1)  }
0xf2: {  	v6, _, _ =	vpop (xrf1);
	_ =	sdelay $0x1  }
0xf3: {  	v7, _, _ =	vpop (xrf1)  }
0xf4: {  	v8 =	vmax.f32 v7, v5;
	v5 =	vmin.f32 v7, v5;
	v7, _, _ =	vpop (xrf1)  }
0xf5: {  	v9 =	vmax.f32 v7, v6;
	v6 =	vmin.f32 v7, v6;
	v7, _, _ =	vpop (xrf1)  }
0xf6: {  	v10 =	vmax.f32 v7, v4;
	v4 =	vmin.f32 v7, v4;
	v7, _, _ =	vpop (xrf1)  }
0xf7: {  	v11 =	vmin.f32 v8, v10;
	v12 =	vmax.f32 v5, v4;
	v13, _, _ =	vpop (xrf1)  }
0xf8: {  	v8 =	vmax.f32 v8, v10;
	v14 =	vmax.f32 v13, v7;
	v7 =	vmin.f32 v13, v7  }
0xf9: {  	v10 =	vmax.f32 v14, v9;
	v9 =	vmin.f32 v14, v9;
	v13 =	vmax.f32 v7, v6  }
0xfa: {  	v14 =	vmax.f32 v8, v10;
	v8 =	vmin.f32 v8, v10;
	v10 =	vmax.f32 v11, v9  }
0xfb: {  	v9 =	vmin.f32 v11, v9;
	v11 =	vmax.f32 v12, v13;
	(xrf1) =	vsort.dscd.msk.f32 $0xffff, v14, v14  }
0xfc: {  	v4 =	vmin.f32 v5, v4;
	v5 =	vmin.f32 v7, v6;
	(xrf1) =	vsort.dscd.msk.f32 $0xffff, v8, v8  }
0xfd: {  	v6 =	vmax.f32 v4, v5;
	v4 =	vmin.f32 v4, v5;
	(xrf1) =	vsort.dscd.msk.f32 $0xffff, v10, v10  }
.Ltmp10:
0xfe: {  	v5 =	vmin.f32 v12, v13;
	(xrf1) =	vsort.dscd.msk.f32 $0xffff, v9, v9;
	(pc) =	sbr.rel @p4 .LBB2_7-.Ltmp10, $4  }
0xff: {  	(xrf1) =	vsort.dscd.msk.f32 $0xffff, v11, v11  }
0x100: {  	(xrf1) =	vsort.dscd.msk.f32 $0xffff, v4, v4  }
0x101: {  	(xrf1) =	vsort.dscd.msk.f32 $0xffff, v5, v5  }
0x102: {  	(xrf1) =	vsort.dscd.msk.f32 $0xffff, v6, v6  }
0x103: {  	_ =	sdelay $0x5  }
0x104: {  	v3, _, _ =	vpop (xrf1)  }
0x105: {  	[tilespmem:s22+$0x0] =	vst v3;
	v3, _, _ =	vpop (xrf1)  }
0x106: {  	[tilespmem:s22+$0x10] =	vst v3;
	v3, _, _ =	vpop (xrf1)  }
0x107: {  	[tilespmem:s22+$0x20] =	vst v3;
	v3, _, _ =	vpop (xrf1)  }
0x108: {  	[tilespmem:s22+$0x30] =	vst v3;
	v3, _, _ =	vpop (xrf1)  }
0x109: {  	[tilespmem:s21+$0xFFFFFFD0] =	vst v3;
	v3, _, _ =	vpop (xrf1)  }
0x10a: {  	[tilespmem:s21+$0x0] =	vst v3;
	v3, _, _ =	vpop (xrf1)  }
0x10b: {  	[tilespmem:s21+$0xFFFFFFE0] =	vst v3;
	v3, _, _ =	vpop (xrf1)  }
0x10c: {  	v4 =	vmov s20;
	[tilespmem:s21+$0xFFFFFFF0] =	vst v3  }
0x10d: {  	s18 =	sadd.s32 $0x80C0, s18;
	v9 =	vld [tilespmem:s17+$0x8000]  }
0x10e: {  	v3 =	vmov s18;
	v6 =	vld [tilespmem:s17+$0x8010]  }
0x10f: {  	v12 =	vld [tilespmem:s17+$0x8020]  }
0x110: {  	s19 =	simm.s32 $0x0;
	v19 =	vld [tilespmem:s17+$0x8050]  }
0x111: {  	v8 =	vld.idx.msk [tilespmem:v4+s19+$0x20 ss:$0x1], $0xffff  }
0x112: {  	v16 =	vld.idx.msk [tilespmem:v4+s19+$0x10 ss:$0x1], $0xffff  }
0x113: {  	v7 =	vld.idx.msk [tilespmem:v3+s19+$0x30 ss:$0x1], $0xffff  }
0x114: {  	v10 =	vld.idx.msk [tilespmem:v3+s19+$0x10 ss:$0x1], $0xffff  }
0x115: {  	v5 =	vmul.u32 $0xFFFFFFFF, v1;
	v13 =	vld.idx.msk [tilespmem:v4+s19+$0x30 ss:$0x1], $0xffff  }
0x116: {  	v15 =	vld [tilespmem:s17+$0x8040]  }
0x117: {  	v5 =	vadd.s32 $0xF, v5;
	v20 =	vld.idx.msk [tilespmem:v3+s19+$0x0 ss:$0x1], $0xffff  }
0x118: {  	v14 =	vld [tilespmem:s17+$0x8060];
	v17 =	vperm.xlane v7, v5  }
0x119: {  	v11 =	vld [tilespmem:s17+$0x8030];
	v18 =	vperm.xlane v10, v5  }
0x11a: {  	v21 =	vperm.xlane v8, v5;
	v10 =	vmax.f32 v9, v17;
	v17 =	vperm.xlane v13, v5;
	v13 =	vld.idx.msk [tilespmem:v3+s19+$0x20 ss:$0x1], $0xffff  }
0x11b: {  	v8 =	vld.idx.msk [tilespmem:v4+s19+$0x0 ss:$0x1], $0xffff;
	v12 =	vmax.f32 v12, v18;
	v18 =	vperm.xlane v16, v5  }
0x11c: {  	s18 =	simm.s32 $0x200;
	v7 =	vld [tilespmem:s17+$0x8070];
	v16 =	vperm.xlane v20, v5;
	v9 =	vmax.f32 v19, v21  }
.LBB2_9:
0x11d: {  	p4 =	sne.s32 s18, $0x400;
	v15 =	vmax.f32 v15, v17;
	v14 =	vmax.f32 v14, v18;
	s19 =	smov.u32 s18;
	s18 =	sadd.s32 $0x200, s18  }
0x11e: {  	v11 =	vmax.f32 v11, v16;
	v16 =	vmax.f32 v10, v15;
	v17 =	vmax.f32 v12, v14  }
0x11f: {  	v13 =	vperm.xlane v13, v5;
	v10 =	vmin.f32 v10, v15;
	v12 =	vmin.f32 v12, v14  }
0x120: {  	v14 =	vmax.f32 v10, v12  }
0x121: {  	v8 =	vperm.xlane v8, v5;
	v10 =	vmin.f32 v10, v12  }
0x122: {  	v6 =	vmax.f32 v6, v13;
	v12 =	vmin.f32 v16, v17  }
0x123: {  	v7 =	vmax.f32 v7, v8;
	v8 =	vmax.f32 v6, v9;
	v6 =	vmin.f32 v6, v9  }
0x124: {  	v9 =	vmax.f32 v11, v7;
	v7 =	vmin.f32 v11, v7;
	v11 =	vmax.f32 v16, v17  }
0x125: {  	v13 =	vmax.f32 v8, v9;
	v8 =	vmin.f32 v8, v9;
	v9 =	vmax.f32 v6, v7  }
0x126: {  	v6 =	vmin.f32 v6, v7;
	v7 =	vmax.f32 v11, v13;
	v11 =	vmin.f32 v11, v13  }
0x127: {  	v13 =	vmax.f32 v10, v6;
	v6 =	vmin.f32 v10, v6;
	(xrf1) =	vsort.dscd.msk.f32 $0xffff, v7, v7  }
0x128: {  	v10 =	vmax.f32 v14, v9;
	v9 =	vmin.f32 v14, v9;
	v7 =	vmin.f32 v12, v8  }
0x129: {  	v8 =	vmax.f32 v12, v8;
	(xrf1) =	vsort.dscd.msk.f32 $0xffff, v11, v11  }
0x12a: {  	(xrf1) =	vsort.dscd.msk.f32 $0xffff, v6, v6  }
0x12b: {  	(xrf1) =	vsort.dscd.msk.f32 $0xffff, v13, v13  }
0x12c: {  	(xrf1) =	vsort.dscd.msk.f32 $0xffff, v8, v8  }
0x12d: {  	(xrf1) =	vsort.dscd.msk.f32 $0xffff, v9, v9  }
0x12e: {  	(xrf1) =	vsort.dscd.msk.f32 $0xffff, v10, v10  }
0x12f: {  	(xrf1) =	vsort.dscd.msk.f32 $0xffff, v7, v7;
	_ =	sdelay $0x1  }
0x130: {  	s19 =	sshra.s32 s19, $0x2  }
0x131: {  	v7 =	vld.idx.msk [tilespmem:v3+s19+$0x30 ss:$0x1], $0xffff  }
0x132: {  	v9 =	vld.idx.msk [tilespmem:v4+s19+$0x20 ss:$0x1], $0xffff  }
0x133: {  	v11 =	vld.idx.msk [tilespmem:v3+s19+$0x10 ss:$0x1], $0xffff  }
0x134: {  	v15 =	vld.idx.msk [tilespmem:v4+s19+$0x10 ss:$0x1], $0xffff;
	v10, _, _ =	vpop (xrf1)  }
0x135: {  	v16 =	vld.idx.msk [tilespmem:v4+s19+$0x30 ss:$0x1], $0xffff  }
0x136: {  	v19 =	vld.idx.msk [tilespmem:v3+s19+$0x0 ss:$0x1], $0xffff;
	v6, _, _ =	vpop (xrf1)  }
0x137: {  	v17 =	vperm.xlane v7, v5;
	v8 =	vld.idx.msk [tilespmem:v4+s19+$0x0 ss:$0x1], $0xffff;
	v7, _, _ =	vpop (xrf1)  }
.Ltmp11:
0x138: {  	v9 =	vperm.xlane v9, v5;
	v13 =	vld.idx.msk [tilespmem:v3+s19+$0x20 ss:$0x1], $0xffff;
	v14, _, _ =	vpop (xrf1);
	(pc) =	sbr.rel @p4 .LBB2_9-.Ltmp11, $4  }
0x139: {  	v10 =	vmax.f32 v10, v17;
	v21 =	vperm.xlane v11, v5;
	v12, _, _ =	vpop (xrf1)  }
0x13a: {  	v20, _, _ =	vpop (xrf1)  }
0x13b: {  	v18 =	vperm.xlane v15, v5;
	v12 =	vmax.f32 v12, v21;
	v17 =	vperm.xlane v16, v5;
	v15, _, _ =	vpop (xrf1)  }
0x13c: {  	v16 =	vperm.xlane v19, v5;
	v9 =	vmax.f32 v20, v9;
	v11, _, _ =	vpop (xrf1)  }
0x13d: {  	v3 =	vmax.f32 v15, v17  }
0x13e: {  	v4 =	vmax.f32 v14, v18;
	v13 =	vperm.xlane v13, v5;
	v46 =	vperm.xlane v8, v5  }
0x13f: {  	v47 =	vmax.f32 v11, v16;
	v48 =	vmax.f32 v10, v3;
	v14 =	vmax.f32 v12, v4  }
0x140: {  	v3 =	vmin.f32 v10, v3;
	v6 =	vmax.f32 v6, v13;
	v5 =	vmax.f32 v7, v46  }
0x141: {  	v4 =	vmin.f32 v12, v4;
	v49 =	vmax.f32 v6, v9;
	v50 =	vmax.f32 v47, v5  }
0x142: {  	v12 =	vmin.f32 v3, v4;
	v51 =	vmax.f32 v48, v14;
	v52 =	vmax.f32 v49, v50  }
0x143: {  	v6 =	vmin.f32 v6, v9;
	v5 =	vmin.f32 v47, v5;
	v53 =	vmax.f32 v51, v52  }
0x144: {  	v9 =	vmin.f32 v6, v5;
	v13 =	vmin.f32 v51, v52;
	(xrf1) =	vsort.dscd.msk.f32 $0xffff, v53, v53  }
0x145: {  	v54 =	vmin.f32 v12, v9;
	(xrf1) =	vsort.dscd.msk.f32 $0xffff, v13, v13  }
0x146: {  	(xrf1) =	vsort.dscd.msk.f32 $0xffff, v54, v54;
	_ =	sdelay $0xb  }
0x147: {  	v55, _, _ =	vpop (xrf1)  }
0x148: {  	v13, _, _ =	vpop (xrf1)  }
0x149: {  	v56, _, _ =	vpop (xrf1)  }
0x14a: {  	(xrf0) =	vmin.scan.msk.f32 $0xffff, v56  }
0x14b: {  	v3 =	vmax.f32 v3, v4;
	v11 =	vmin.f32 v48, v14;
	v7 =	vmin.f32 v49, v50  }
0x14c: {  	v5 =	vmax.f32 v6, v5;
	v9 =	vmax.f32 v12, v9;
	v57 =	vmax.f32 v11, v7  }
0x14d: {  	v58 =	vmin.f32 v3, v5;
	v3 =	vmax.f32 v3, v5;
	(xrf1) =	vsort.dscd.msk.f32 $0xffff, v9, v9  }
0x14e: {  	(xrf1) =	vsort.dscd.msk.f32 $0xffff, v57, v57  }
0x14f: {  	(xrf1) =	vsort.dscd.msk.f32 $0xffff, v58, v58  }
0x150: {  	(xrf1) =	vsort.dscd.msk.f32 $0xffff, v3, v3;
	v3, _, _ =	vpop (xrf0)  }
0x151: {  	(v2sf) =	vpush v3, $0xF  }
0x152: {  	v59 =	vmin.f32 v11, v7  }
0x153: {  	(xrf1) =	vsort.dscd.msk.f32 $0xffff, v59, v59;
	_ =	sdelay $0x7  }
0x154: {  	[tilespmem:s17+$0x8000] =	vst v55  }
0x155: {  	[tilespmem:s17+$0x8010] =	vst v13  }
0x156: {  	[tilespmem:s17+$0x8070] =	vst v56;
	v3, _, _ =	vpop (xrf1)  }
.Ltmp12:
0x157: {  	v60, _, _ =	vpop (xrf1);
	[tilespmem:s17+$0x8060] =	vst v3;
	(pc) =	sbr.rel .LBB2_11-.Ltmp12, $4  }
0x158: {  	v61, _, _ =	vpop (xrf1);
	[tilespmem:s17+$0x8020] =	vst v60  }
0x159: {  	s19 =	sadd.s32 $0x80, s16;
	v62, _, _ =	vpop (xrf1);
	[tilespmem:s17+$0x8050] =	vst v61;
	s18 =	spop (v2sf)  }
0x15a: {  	v63, _, _ =	vpop (xrf1);
	[tilespmem:s17+$0x8040] =	vst v62;
	[smem:s19] =	sst s18  }
0x15b: {  	[tilespmem:s17+$0x8030] =	vst v63;
	[smem:s16] =	sst s8  }
.LBB2_16:
0x15c: {  	_ =	sfence.sel $0x180000  }
0x15d: {  	[bflag:$0x0] =	sbarrier.arrive $0xFFFF  }
0x15e: {  	p0 =	sne.s32 s2, $0x0;
	_ =	strace $0x90000047  }
0x15f: {  	s0 =	sadd.s32 @!p0 $0x100000, s0;
	[bflag:$0x2] =	sbarrier.arrive $0xFFFF  }
0x160: {  	[sflag:s0] =	ssyncadd.tile.s32 @!p0 $0x1;
	_ =	shalt  }
.Lfunc_end2:
_tile_overlayer_lowered:
.L_overlay_start_2:
0x161: {  	(tag) =	ssettag $0x2  }
0x162: {  	s0 =	rddreg [dreg:$0x0];
	s2 =	stileid.u32  }
0x163: {  	s1 =	rddreg [dreg:$0x1];
	p0 =	sne.s32 s2, $0x0  }
0x164: {  	s3 =	rddreg [dreg:$0x2];
	[bflag:$0x3] =	sbarrier.arrive $0xFFFF;
	s2 =	simm.s32 @!p0 $0x1C03  }
0x165: {  	[timem:s3], [sflag:s2] =	dma.local @!p0 [hbm:s0], s1  }
0x166: {  	s0 =	simm.s32 @!p0 $0x3  }
0x167: {  	_ =	swait.ge @!p0 [sflag:s0], s1  }
0x168: {  	s1 =	ssub.s32 @!p0 $0x0, s1;
	[sflag:s0] =	ssyncset.done @!p0 $0x0  }
0x169: {  	[sflag:s0] =	ssyncadd.s32 @!p0 s1  }
0x16a: {  	[bflag:$0x3] =	sbarrier.arrive $0xFFFF  }
0x16b: {  	_ =	shalt  }

</sc_bundles>
